<compile_context>
chip_gen: v7x
topology: tpu7x:2x2x1
jax: 0.10.2.dev20260603
libtpu: 0.0.44.dev20260713+nightly
codegen_flags: <defaults>
</compile_context>

<pallas_src>
import functools

import jax
import jax.numpy as jnp
from jax import lax
from jax.experimental import pallas as pl
from jax.experimental.pallas import tpu as pltpu
from jax.experimental.pallas import tpu_sc as plsc

K = 48
ROWS = 16384
N = 2048
NW = 32
RW = ROWS // NW
SLAB = 16
L = 16


def _vsort(k, v):
    return plsc.sort_key_val(k, v)


def _ce(ka, va, kb, vb):
    m = kb < ka
    lo_k = jnp.where(m, kb, ka)
    hi_k = jnp.where(m, ka, kb)
    lo_v = jnp.where(m, vb, va)
    hi_v = jnp.where(m, va, vb)
    return lo_k, lo_v, hi_k, hi_v


def _rev(x):
    return lax.rev(x, (0,))


def _merge_halves(ks, vs):
    n = len(ks) // 2
    rk = [_rev(ks[2 * n - 1 - i]) for i in range(n)]
    rv = [_rev(vs[2 * n - 1 - i]) for i in range(n)]
    lo_k, lo_v, hi_k, hi_v = [], [], [], []
    for i in range(n):
        a, b, c, d = _ce(ks[i], vs[i], rk[i], rv[i])
        lo_k.append(a)
        lo_v.append(b)
        hi_k.append(c)
        hi_v.append(d)
    lo_k, lo_v = _clean(lo_k, lo_v)
    hi_k, hi_v = _clean(hi_k, hi_v)
    return lo_k + hi_k, lo_v + hi_v


def _merge_low(ks, vs):
    n = len(ks) // 2
    rk = [_rev(ks[2 * n - 1 - i]) for i in range(n)]
    rv = [_rev(vs[2 * n - 1 - i]) for i in range(n)]
    lo_k, lo_v = [], []
    for i in range(n):
        a, b, _, _ = _ce(ks[i], vs[i], rk[i], rv[i])
        lo_k.append(a)
        lo_v.append(b)
    return _clean(lo_k, lo_v)


def _clean(ks, vs):
    n = len(ks)
    if n == 1:
        k, v = _vsort(ks[0], vs[0])
        return [k], [v]
    h = n // 2
    lo_k, lo_v, hi_k, hi_v = list(ks[:h]), list(vs[:h]), list(ks[h:]), list(vs[h:])
    for i in range(h):
        a, b, c, d = _ce(lo_k[i], lo_v[i], hi_k[i], hi_v[i])
        lo_k[i], lo_v[i], hi_k[i], hi_v[i] = a, b, c, d
    lo_k, lo_v = _clean(lo_k, lo_v)
    hi_k, hi_v = _clean(hi_k, hi_v)
    return lo_k + hi_k, lo_v + hi_v


def _row_topk(slab_v, r, kbuf, vbuf):
    iota = lax.broadcasted_iota(jnp.int32, (L,), 0)

    def l01(j, _):
        k0 = slab_v[r, pl.ds(j * 32, L)]
        k1 = slab_v[r, pl.ds(j * 32 + L, L)]
        v0 = iota + j * 32
        v1 = iota + (j * 32 + L)
        k0, v0 = _vsort(k0, v0)
        k1, v1 = _vsort(k1, v1)
        ks, vs = _merge_halves([k0, k1], [v0, v1])
        for t in range(2):
            kbuf[pl.ds(j * 32 + t * L, L)] = ks[t]
            vbuf[pl.ds(j * 32 + t * L, L)] = vs[t]
        return 0

    lax.fori_loop(0, N // 32, l01, 0)

    def l2(j, _):
        ks = [kbuf[pl.ds(j * 64 + t * L, L)] for t in range(4)]
        vs = [vbuf[pl.ds(j * 64 + t * L, L)] for t in range(4)]
        ks, vs = _merge_halves(ks[:2] + ks[2:], vs[:2] + vs[2:])
        for t in range(4):
            kbuf[pl.ds(j * 64 + t * L, L)] = ks[t]
            vbuf[pl.ds(j * 64 + t * L, L)] = vs[t]
        return 0

    lax.fori_loop(0, N // 64, l2, 0)

    for lvl in range(5):
        stride = 64 << (lvl + 1)

        def lm(j, _, stride=stride):
            base_a = j * stride
            base_b = base_a + (stride // 2)
            ks = [kbuf[pl.ds(base_a + t * L, L)] for t in range(4)]
            vs = [vbuf[pl.ds(base_a + t * L, L)] for t in range(4)]
            ks += [kbuf[pl.ds(base_b + t * L, L)] for t in range(4)]
            vs += [vbuf[pl.ds(base_b + t * L, L)] for t in range(4)]
            ks, vs = _merge_low(ks, vs)
            for t in range(4):
                kbuf[pl.ds(base_a + t * L, L)] = ks[t]
                vbuf[pl.ds(base_a + t * L, L)] = vs[t]
            return 0

        lax.fori_loop(0, N // stride, lm, 0)


def _sc_kernel_body(d_hbm, idx_hbm, val_hbm, slab_v, kbuf, vbuf,
                    oi_v, ov_v, sem):
    wid = lax.axis_index("s") * 2 + lax.axis_index("c")
    base_row = wid * RW

    def slab_loop(s, _):
        row0 = base_row + s * SLAB
        pltpu.sync_copy(d_hbm.at[pl.ds(row0, SLAB)], slab_v)

        def row_loop(r, _):
            _row_topk(slab_v, r, kbuf, vbuf)
            for t in range(K // L):
                ov_v[r, pl.ds(t * L, L)] = kbuf[pl.ds(t * L, L)]
                oi_v[r, pl.ds(t * L, L)] = vbuf[pl.ds(t * L, L)]
            return 0

        lax.fori_loop(0, SLAB, row_loop, 0)
        pltpu.sync_copy(oi_v, idx_hbm.at[pl.ds(row0, SLAB)])
        pltpu.sync_copy(ov_v, val_hbm.at[pl.ds(row0, SLAB)])
        return 0

    lax.fori_loop(0, RW // SLAB, slab_loop, 0)


def kernel(D):
    b, q, n = D.shape
    Df = D.reshape(b * q, n)
    mesh = plsc.VectorSubcoreMesh(core_axis_name="c", subcore_axis_name="s")
    run = pl.kernel(
        _sc_kernel_body,
        mesh=mesh,
        compiler_params=pltpu.CompilerParams(needs_layout_passes=False),
        out_type=[
            jax.ShapeDtypeStruct((ROWS, K), jnp.int32),
            jax.ShapeDtypeStruct((ROWS, K), jnp.float32),
        ],
        scratch_types=[
            pltpu.VMEM((SLAB, N), jnp.float32),
            pltpu.VMEM((N,), jnp.float32),
            pltpu.VMEM((N,), jnp.int32),
            pltpu.VMEM((SLAB, K), jnp.int32),
            pltpu.VMEM((SLAB, K), jnp.float32),
            pltpu.SemaphoreType.DMA,
        ],
    )
    idx, vals = run(Df)
    return idx.reshape(b, q, K), vals.reshape(b, q, K)

# --- scband reference (transcript-rebuilt; emitter-appended) ---
"""Pipeline reference for scband-k-nn-23759759081725 (READ-ONLY COPY).

The authoritative reference and input builder live on the scoring server;
editing this copy changes nothing except your own understanding.
"""

import jax, jax.numpy as jnp
import numpy as np

K_NEIGHBORS = 48


def setup_inputs(seed: int = 0) -> dict:
    key = jax.random.key(seed)
    D = jax.random.normal(key, (8, 2048, 2048), dtype=jnp.float32)
    return {"D": D}


def reference(D):
    # torch.topk(D, k, dim=-1, largest=False) == smallest-k.
    # Implement via lax.top_k on the negated matrix, then negate values back.
    k = min(K_NEIGHBORS, D.shape[-1])
    neg_vals, edge_idx = jax.lax.top_k(-D, k)
    edge_D = -neg_vals
    # mask / mask_2D are None -> mask_ij is None; return the two tensor outputs.
    return (edge_idx, edge_D)

if __name__ == "__main__":
    import jax
    _d = setup_inputs()
    print(jax.jit(kernel)(*tuple(_d.values())))

</pallas_src>

<mosaic_0001>
#map = affine_map<(d0, d1) -> (0, 0)>
module attributes {stable_mosaic.version = 14 : i64} {
  func.func @_sc_kernel_body(%arg0: i32, %arg1: i32, %arg2: memref<16384x2048xf32, #tpu.memory_space<hbm>>, %arg3: memref<16384x48xi32, #tpu.memory_space<hbm>>, %arg4: memref<16384x48xf32, #tpu.memory_space<hbm>>, %arg5: memref<16x2048xf32, #tpu.memory_space<vmem>>, %arg6: memref<2048xf32, #tpu.memory_space<vmem>>, %arg7: memref<2048xi32, #tpu.memory_space<vmem>>, %arg8: memref<16x48xi32, #tpu.memory_space<vmem>>, %arg9: memref<16x48xf32, #tpu.memory_space<vmem>>, %arg10: memref<!tpu.dma_semaphore, #tpu.memory_space<semaphore_mem>>) attributes {dimension_semantics = [#tpu.dimension_semantics<core_parallel>, #tpu.dimension_semantics<subcore_parallel>], iteration_bounds = array<i64: 2, 16>, scalar_prefetch = 0 : i64, scratch_operands = 6 : i64, tpu.core_type = #tpu.core_type<sc_vector_subcore>, window_params = [{transform_indices = #map}, {transform_indices = #map}, {transform_indices = #map}]} {
    %mul3A = arith.constant 2 : i32
    %mul3A_0 = arith.muli %arg1, %mul3A : i32
    %add3A = arith.addi %mul3A_0, %arg0 : i32
    %mul3A_1 = arith.constant 512 : i32
    %mul3A_2 = arith.muli %add3A, %mul3A_1 : i32
    %scan3A = arith.constant 0 : i32
    %scan3A_3 = arith.constant 0 : i32
    %scan3A_4 = arith.constant 32 : i32
    %scan3A_5 = arith.addi %scan3A_3, %scan3A_4 : i32
    %scan3A_6 = arith.constant 1 : i32
    %scan3A_7 = scf.for %scan3A_9 = %scan3A_3 to %scan3A_5 step %scan3A_6 iter_args(%scan3A_10 = %scan3A) -> (i32)  : i32 {
      %mul3A_11 = arith.constant 16 : i32
      %mul3A_12 = arith.muli %scan3A_9, %mul3A_11 : i32
      %add3A_13 = arith.addi %mul3A_2, %mul3A_12 : i32
      "tpu.region"() ({
        %run_scoped3A = tpu.sem_alloc : memref<!tpu.dma_semaphore, #tpu.memory_space<semaphore_mem>>
        %dma_start3A = arith.constant 0 : i32
        %dma_start3A_22 = tpu.memref_slice %arg2[%add3A_13, %dma_start3A] : memref<16384x2048xf32, #tpu.memory_space<hbm>> -> memref<16x2048xf32, #tpu.memory_space<hbm>>
        %dma_start3A_23 = arith.constant 0 : i32
        %dma_start3A_24 = tpu.memref_slice %arg2[%add3A_13, %dma_start3A_23] : memref<16384x2048xf32, #tpu.memory_space<hbm>> -> memref<16x2048xf32, #tpu.memory_space<hbm>>
        tpu.enqueue_dma source(%dma_start3A_24 : memref<16x2048xf32, #tpu.memory_space<hbm>>) target(%arg5 : memref<16x2048xf32, #tpu.memory_space<vmem>>) target_semaphore(%run_scoped3A : memref<!tpu.dma_semaphore, #tpu.memory_space<semaphore_mem>>)
        %dma_wait3A = arith.constant 0 : i32
        %dma_wait3A_25 = tpu.memref_slice %arg2[%add3A_13, %dma_wait3A] : memref<16384x2048xf32, #tpu.memory_space<hbm>> -> memref<16x2048xf32, #tpu.memory_space<hbm>>
        %dma_wait3A_26 = arith.constant 0 : i32
        %dma_wait3A_27 = tpu.memref_slice %arg2[%add3A_13, %dma_wait3A_26] : memref<16384x2048xf32, #tpu.memory_space<hbm>> -> memref<16x2048xf32, #tpu.memory_space<hbm>>
        tpu.wait_dma2 semaphore(%run_scoped3A : memref<!tpu.dma_semaphore, #tpu.memory_space<semaphore_mem>>) src(%dma_wait3A_27 : memref<16x2048xf32, #tpu.memory_space<hbm>>) dst(%arg5 : memref<16x2048xf32, #tpu.memory_space<vmem>>)
        tpu.yield
      }) : () -> ()
      %scan3A_14 = arith.constant 0 : i32
      %scan3A_15 = arith.constant 0 : i32
      %scan3A_16 = arith.constant 16 : i32
      %scan3A_17 = arith.addi %scan3A_15, %scan3A_16 : i32
      %scan3A_18 = arith.constant 1 : i32
      %scan3A_19 = scf.for %scan3A_22 = %scan3A_15 to %scan3A_17 step %scan3A_18 iter_args(%scan3A_23 = %scan3A_14) -> (i32)  : i32 {
        %iota3A = tpu.iota {dimensions = array<i32: 0>} : vector<16xi32>
        %scan3A_24 = arith.constant 0 : i32
        %scan3A_25 = arith.constant 0 : i32
        %scan3A_26 = arith.constant 64 : i32
        %scan3A_27 = arith.addi %scan3A_25, %scan3A_26 : i32
        %scan3A_28 = arith.constant 1 : i32
        %scan3A_29 = scf.for %scan3A_291 = %scan3A_25 to %scan3A_27 step %scan3A_28 iter_args(%scan3A_292 = %scan3A_24) -> (i32)  : i32 {
          %mul3A_293 = arith.constant 32 : i32
          %mul3A_294 = arith.muli %scan3A_291, %mul3A_293 : i32
          %get3A_295 = arith.index_cast %scan3A_22 : i32 to index
          %get3A_296 = arith.index_cast %mul3A_294 : i32 to index
          %get3A_297 = tpu.vector_load %arg5[%get3A_295, %get3A_296] {strides = array<i32>} : memref<16x2048xf32, #tpu.memory_space<vmem>>, vector<16xf32>,
          %mul3A_298 = arith.constant 32 : i32
          %mul3A_299 = arith.muli %scan3A_291, %mul3A_298 : i32
          %add3A_300 = arith.constant 16 : i32
          %add3A_301 = arith.addi %mul3A_299, %add3A_300 : i32
          %get3A_302 = arith.index_cast %scan3A_22 : i32 to index
          %get3A_303 = arith.index_cast %add3A_301 : i32 to index
          %get3A_304 = tpu.vector_load %arg5[%get3A_302, %get3A_303] {strides = array<i32>} : memref<16x2048xf32, #tpu.memory_space<vmem>>, vector<16xf32>,
          %mul3A_305 = arith.constant 32 : i32
          %mul3A_306 = arith.muli %scan3A_291, %mul3A_305 : i32
          %add3A_307 = vector.broadcast %mul3A_306 : i32 to vector<16xi32>
          %add3A_308 = arith.addi %iota3A, %add3A_307 : vector<16xi32>
          %mul3A_309 = arith.constant 32 : i32
          %mul3A_310 = arith.muli %scan3A_291, %mul3A_309 : i32
          %add3A_311 = arith.constant 16 : i32
          %add3A_312 = arith.addi %mul3A_310, %add3A_311 : i32
          %add3A_313 = vector.broadcast %add3A_312 : i32 to vector<16xi32>
          %add3A_314 = arith.addi %iota3A, %add3A_313 : vector<16xi32>
          %masked_sort3A_315 = arith.constant dense<true> : vector<16xi1>
          %masked_sort3A_316, %masked_sort3A_317, %masked_sort3A_318 = tpu.sort %get3A_297, %add3A_308 masked %masked_sort3A_315 : (vector<16xf32>, vector<16xi32>, vector<16xi1>) -> (vector<16xi1>, vector<16xf32>, vector<16xi32>)
          %masked_sort3A_319 = arith.constant dense<true> : vector<16xi1>
          %masked_sort3A_320, %masked_sort3A_321, %masked_sort3A_322 = tpu.sort %get3A_304, %add3A_314 masked %masked_sort3A_319 : (vector<16xf32>, vector<16xi32>, vector<16xi1>) -> (vector<16xi1>, vector<16xf32>, vector<16xi32>)
          %rev3A_323 = arith.constant 15 : i32
          %rev3A_324 = vector.broadcast %rev3A_323 : i32 to vector<16xi32>
          %rev3A_325 = tpu.iota {dimensions = array<i32: 0>} : vector<16xi32>
          %rev3A_326 = arith.subi %rev3A_324, %rev3A_325 : vector<16xi32>
          %rev3A_327 = tpu.dynamic_gather %masked_sort3A_321[%rev3A_326] in [0] : vector<16xf32>, vector<16xi32> -> vector<16xf32>
          %rev3A_328 = arith.constant 15 : i32
          %rev3A_329 = vector.broadcast %rev3A_328 : i32 to vector<16xi32>
          %rev3A_330 = tpu.iota {dimensions = array<i32: 0>} : vector<16xi32>
          %rev3A_331 = arith.subi %rev3A_329, %rev3A_330 : vector<16xi32>
          %rev3A_332 = tpu.dynamic_gather %masked_sort3A_322[%rev3A_331] in [0] : vector<16xi32>, vector<16xi32> -> vector<16xi32>
          %lt3A_333 = arith.cmpf olt, %rev3A_327, %masked_sort3A_317 : vector<16xf32>
          %select_n3A_334 = arith.select %lt3A_333, %rev3A_327, %masked_sort3A_317 : vector<16xi1>, vector<16xf32>
          %select_n3A_335 = arith.select %lt3A_333, %masked_sort3A_317, %rev3A_327 : vector<16xi1>, vector<16xf32>
          %select_n3A_336 = arith.select %lt3A_333, %rev3A_332, %masked_sort3A_318 : vector<16xi1>, vector<16xi32>
          %select_n3A_337 = arith.select %lt3A_333, %masked_sort3A_318, %rev3A_332 : vector<16xi1>, vector<16xi32>
          %masked_sort3A_338 = arith.constant dense<true> : vector<16xi1>
          %masked_sort3A_339, %masked_sort3A_340, %masked_sort3A_341 = tpu.sort %select_n3A_334, %select_n3A_336 masked %masked_sort3A_338 : (vector<16xf32>, vector<16xi32>, vector<16xi1>) -> (vector<16xi1>, vector<16xf32>, vector<16xi32>)
          %masked_sort3A_342 = arith.constant dense<true> : vector<16xi1>
          %masked_sort3A_343, %masked_sort3A_344, %masked_sort3A_345 = tpu.sort %select_n3A_335, %select_n3A_337 masked %masked_sort3A_342 : (vector<16xf32>, vector<16xi32>, vector<16xi1>) -> (vector<16xi1>, vector<16xf32>, vector<16xi32>)
          %mul3A_346 = arith.constant 32 : i32
          %mul3A_347 = arith.muli %scan3A_291, %mul3A_346 : i32
          %add3A_348 = arith.constant 0 : i32
          %add3A_349 = arith.addi %mul3A_347, %add3A_348 : i32
          %swap3A_350 = arith.index_cast %add3A_349 : i32 to index
          %swap3A_351 = tpu.vector_load %arg6[%swap3A_350] {strides = array<i32>} : memref<2048xf32, #tpu.memory_space<vmem>>, vector<16xf32>,
          tpu.vector_store %arg6[%swap3A_350], %masked_sort3A_340 {strides = array<i32>} : memref<2048xf32, #tpu.memory_space<vmem>>, vector<16xf32>,
          %mul3A_352 = arith.constant 32 : i32
          %mul3A_353 = arith.muli %scan3A_291, %mul3A_352 : i32
          %add3A_354 = arith.constant 0 : i32
          %add3A_355 = arith.addi %mul3A_353, %add3A_354 : i32
          %swap3A_356 = arith.index_cast %add3A_355 : i32 to index
          %swap3A_357 = tpu.vector_load %arg7[%swap3A_356] {strides = array<i32>} : memref<2048xi32, #tpu.memory_space<vmem>>, vector<16xi32>,
          tpu.vector_store %arg7[%swap3A_356], %masked_sort3A_341 {strides = array<i32>} : memref<2048xi32, #tpu.memory_space<vmem>>, vector<16xi32>,
          %mul3A_358 = arith.constant 32 : i32
          %mul3A_359 = arith.muli %scan3A_291, %mul3A_358 : i32
          %add3A_360 = arith.constant 16 : i32
          %add3A_361 = arith.addi %mul3A_359, %add3A_360 : i32
          %swap3A_362 = arith.index_cast %add3A_361 : i32 to index
          %swap3A_363 = tpu.vector_load %arg6[%swap3A_362] {strides = array<i32>} : memref<2048xf32, #tpu.memory_space<vmem>>, vector<16xf32>,
          tpu.vector_store %arg6[%swap3A_362], %masked_sort3A_344 {strides = array<i32>} : memref<2048xf32, #tpu.memory_space<vmem>>, vector<16xf32>,
          %mul3A_364 = arith.constant 32 : i32
          %mul3A_365 = arith.muli %scan3A_291, %mul3A_364 : i32
          %add3A_366 = arith.constant 16 : i32
          %add3A_367 = arith.addi %mul3A_365, %add3A_366 : i32
          %swap3A_368 = arith.index_cast %add3A_367 : i32 to index
          %swap3A_369 = tpu.vector_load %arg7[%swap3A_368] {strides = array<i32>} : memref<2048xi32, #tpu.memory_space<vmem>>, vector<16xi32>,
          tpu.vector_store %arg7[%swap3A_368], %masked_sort3A_345 {strides = array<i32>} : memref<2048xi32, #tpu.memory_space<vmem>>, vector<16xi32>,
          %scan3A_370 = arith.constant 0 : i32
          scf.yield %scan3A_370 : i32
        }
        %scan3A_30 = arith.constant 64 : i32
        %scan3A_31 = arith.constant 0 : i32
        %scan3A_32 = arith.constant 0 : i32
        %scan3A_33 = arith.constant 32 : i32
        %scan3A_34 = arith.addi %scan3A_32, %scan3A_33 : i32
        %scan3A_35 = arith.constant 1 : i32
        %scan3A_36 = scf.for %scan3A_291 = %scan3A_32 to %scan3A_34 step %scan3A_35 iter_args(%scan3A_292 = %scan3A_31) -> (i32)  : i32 {
          %mul3A_293 = arith.constant 64 : i32
          %mul3A_294 = arith.muli %scan3A_291, %mul3A_293 : i32
          %add3A_295 = arith.constant 0 : i32
          %add3A_296 = arith.addi %mul3A_294, %add3A_295 : i32
          %get3A_297 = arith.index_cast %add3A_296 : i32 to index
          %get3A_298 = tpu.vector_load %arg6[%get3A_297] {strides = array<i32>} : memref<2048xf32, #tpu.memory_space<vmem>>, vector<16xf32>,
          %mul3A_299 = arith.constant 64 : i32
          %mul3A_300 = arith.muli %scan3A_291, %mul3A_299 : i32
          %add3A_301 = arith.constant 16 : i32
          %add3A_302 = arith.addi %mul3A_300, %add3A_301 : i32
          %get3A_303 = arith.index_cast %add3A_302 : i32 to index
          %get3A_304 = tpu.vector_load %arg6[%get3A_303] {strides = array<i32>} : memref<2048xf32, #tpu.memory_space<vmem>>, vector<16xf32>,
          %mul3A_305 = arith.constant 64 : i32
          %mul3A_306 = arith.muli %scan3A_291, %mul3A_305 : i32
          %add3A_307 = arith.constant 32 : i32
          %add3A_308 = arith.addi %mul3A_306, %add3A_307 : i32
          %get3A_309 = arith.index_cast %add3A_308 : i32 to index
          %get3A_310 = tpu.vector_load %arg6[%get3A_309] {strides = array<i32>} : memref<2048xf32, #tpu.memory_space<vmem>>, vector<16xf32>,
          %mul3A_311 = arith.constant 64 : i32
          %mul3A_312 = arith.muli %scan3A_291, %mul3A_311 : i32
          %add3A_313 = arith.constant 48 : i32
          %add3A_314 = arith.addi %mul3A_312, %add3A_313 : i32
          %get3A_315 = arith.index_cast %add3A_314 : i32 to index
          %get3A_316 = tpu.vector_load %arg6[%get3A_315] {strides = array<i32>} : memref<2048xf32, #tpu.memory_space<vmem>>, vector<16xf32>,
          %mul3A_317 = arith.constant 64 : i32
          %mul3A_318 = arith.muli %scan3A_291, %mul3A_317 : i32
          %add3A_319 = arith.constant 0 : i32
          %add3A_320 = arith.addi %mul3A_318, %add3A_319 : i32
          %get3A_321 = arith.index_cast %add3A_320 : i32 to index
          %get3A_322 = tpu.vector_load %arg7[%get3A_321] {strides = array<i32>} : memref<2048xi32, #tpu.memory_space<vmem>>, vector<16xi32>,
          %mul3A_323 = arith.constant 64 : i32
          %mul3A_324 = arith.muli %scan3A_291, %mul3A_323 : i32
          %add3A_325 = arith.constant 16 : i32
          %add3A_326 = arith.addi %mul3A_324, %add3A_325 : i32
          %get3A_327 = arith.index_cast %add3A_326 : i32 to index
          %get3A_328 = tpu.vector_load %arg7[%get3A_327] {strides = array<i32>} : memref<2048xi32, #tpu.memory_space<vmem>>, vector<16xi32>,
          %mul3A_329 = arith.constant 64 : i32
          %mul3A_330 = arith.muli %scan3A_291, %mul3A_329 : i32
          %add3A_331 = arith.constant 32 : i32
          %add3A_332 = arith.addi %mul3A_330, %add3A_331 : i32
          %get3A_333 = arith.index_cast %add3A_332 : i32 to index
          %get3A_334 = tpu.vector_load %arg7[%get3A_333] {strides = array<i32>} : memref<2048xi32, #tpu.memory_space<vmem>>, vector<16xi32>,
          %mul3A_335 = arith.constant 64 : i32
          %mul3A_336 = arith.muli %scan3A_291, %mul3A_335 : i32
          %add3A_337 = arith.constant 48 : i32
          %add3A_338 = arith.addi %mul3A_336, %add3A_337 : i32
          %get3A_339 = arith.index_cast %add3A_338 : i32 to index
          %get3A_340 = tpu.vector_load %arg7[%get3A_339] {strides = array<i32>} : memref<2048xi32, #tpu.memory_space<vmem>>, vector<16xi32>,
          %rev3A_341 = arith.constant 15 : i32
          %rev3A_342 = vector.broadcast %rev3A_341 : i32 to vector<16xi32>
          %rev3A_343 = tpu.iota {dimensions = array<i32: 0>} : vector<16xi32>
          %rev3A_344 = arith.subi %rev3A_342, %rev3A_343 : vector<16xi32>
          %rev3A_345 = tpu.dynamic_gather %get3A_316[%rev3A_344] in [0] : vector<16xf32>, vector<16xi32> -> vector<16xf32>
          %rev3A_346 = arith.constant 15 : i32
          %rev3A_347 = vector.broadcast %rev3A_346 : i32 to vector<16xi32>
          %rev3A_348 = tpu.iota {dimensions = array<i32: 0>} : vector<16xi32>
          %rev3A_349 = arith.subi %rev3A_347, %rev3A_348 : vector<16xi32>
          %rev3A_350 = tpu.dynamic_gather %get3A_310[%rev3A_349] in [0] : vector<16xf32>, vector<16xi32> -> vector<16xf32>
          %rev3A_351 = arith.constant 15 : i32
          %rev3A_352 = vector.broadcast %rev3A_351 : i32 to vector<16xi32>
          %rev3A_353 = tpu.iota {dimensions = array<i32: 0>} : vector<16xi32>
          %rev3A_354 = arith.subi %rev3A_352, %rev3A_353 : vector<16xi32>
          %rev3A_355 = tpu.dynamic_gather %get3A_340[%rev3A_354] in [0] : vector<16xi32>, vector<16xi32> -> vector<16xi32>
          %rev3A_356 = arith.constant 15 : i32
          %rev3A_357 = vector.broadcast %rev3A_356 : i32 to vector<16xi32>
          %rev3A_358 = tpu.iota {dimensions = array<i32: 0>} : vector<16xi32>
          %rev3A_359 = arith.subi %rev3A_357, %rev3A_358 : vector<16xi32>
          %rev3A_360 = tpu.dynamic_gather %get3A_334[%rev3A_359] in [0] : vector<16xi32>, vector<16xi32> -> vector<16xi32>
          %lt3A_361 = arith.cmpf olt, %rev3A_345, %get3A_298 : vector<16xf32>
          %select_n3A_362 = arith.select %lt3A_361, %rev3A_345, %get3A_298 : vector<16xi1>, vector<16xf32>
          %select_n3A_363 = arith.select %lt3A_361, %get3A_298, %rev3A_345 : vector<16xi1>, vector<16xf32>
          %select_n3A_364 = arith.select %lt3A_361, %rev3A_355, %get3A_322 : vector<16xi1>, vector<16xi32>
          %select_n3A_365 = arith.select %lt3A_361, %get3A_322, %rev3A_355 : vector<16xi1>, vector<16xi32>
          %lt3A_366 = arith.cmpf olt, %rev3A_350, %get3A_304 : vector<16xf32>
          %select_n3A_367 = arith.select %lt3A_366, %rev3A_350, %get3A_304 : vector<16xi1>, vector<16xf32>
          %select_n3A_368 = arith.select %lt3A_366, %get3A_304, %rev3A_350 : vector<16xi1>, vector<16xf32>
          %select_n3A_369 = arith.select %lt3A_366, %rev3A_360, %get3A_328 : vector<16xi1>, vector<16xi32>
          %select_n3A_370 = arith.select %lt3A_366, %get3A_328, %rev3A_360 : vector<16xi1>, vector<16xi32>
          %lt3A_371 = arith.cmpf olt, %select_n3A_367, %select_n3A_362 : vector<16xf32>
          %select_n3A_372 = arith.select %lt3A_371, %select_n3A_367, %select_n3A_362 : vector<16xi1>, vector<16xf32>
          %select_n3A_373 = arith.select %lt3A_371, %select_n3A_362, %select_n3A_367 : vector<16xi1>, vector<16xf32>
          %select_n3A_374 = arith.select %lt3A_371, %select_n3A_369, %select_n3A_364 : vector<16xi1>, vector<16xi32>
          %select_n3A_375 = arith.select %lt3A_371, %select_n3A_364, %select_n3A_369 : vector<16xi1>, vector<16xi32>
          %masked_sort3A_376 = arith.constant dense<true> : vector<16xi1>
          %masked_sort3A_377, %masked_sort3A_378, %masked_sort3A_379 = tpu.sort %select_n3A_372, %select_n3A_374 masked %masked_sort3A_376 : (vector<16xf32>, vector<16xi32>, vector<16xi1>) -> (vector<16xi1>, vector<16xf32>, vector<16xi32>)
          %masked_sort3A_380 = arith.constant dense<true> : vector<16xi1>
          %masked_sort3A_381, %masked_sort3A_382, %masked_sort3A_383 = tpu.sort %select_n3A_373, %select_n3A_375 masked %masked_sort3A_380 : (vector<16xf32>, vector<16xi32>, vector<16xi1>) -> (vector<16xi1>, vector<16xf32>, vector<16xi32>)
          %lt3A_384 = arith.cmpf olt, %select_n3A_368, %select_n3A_363 : vector<16xf32>
          %select_n3A_385 = arith.select %lt3A_384, %select_n3A_368, %select_n3A_363 : vector<16xi1>, vector<16xf32>
          %select_n3A_386 = arith.select %lt3A_384, %select_n3A_363, %select_n3A_368 : vector<16xi1>, vector<16xf32>
          %select_n3A_387 = arith.select %lt3A_384, %select_n3A_370, %select_n3A_365 : vector<16xi1>, vector<16xi32>
          %select_n3A_388 = arith.select %lt3A_384, %select_n3A_365, %select_n3A_370 : vector<16xi1>, vector<16xi32>
          %masked_sort3A_389 = arith.constant dense<true> : vector<16xi1>
          %masked_sort3A_390, %masked_sort3A_391, %masked_sort3A_392 = tpu.sort %select_n3A_385, %select_n3A_387 masked %masked_sort3A_389 : (vector<16xf32>, vector<16xi32>, vector<16xi1>) -> (vector<16xi1>, vector<16xf32>, vector<16xi32>)
          %masked_sort3A_393 = arith.constant dense<true> : vector<16xi1>
          %masked_sort3A_394, %masked_sort3A_395, %masked_sort3A_396 = tpu.sort %select_n3A_386, %select_n3A_388 masked %masked_sort3A_393 : (vector<16xf32>, vector<16xi32>, vector<16xi1>) -> (vector<16xi1>, vector<16xf32>, vector<16xi32>)
          %mul3A_397 = arith.constant 64 : i32
          %mul3A_398 = arith.muli %scan3A_291, %mul3A_397 : i32
          %add3A_399 = arith.constant 0 : i32
          %add3A_400 = arith.addi %mul3A_398, %add3A_399 : i32
          %swap3A_401 = arith.index_cast %add3A_400 : i32 to index
          %swap3A_402 = tpu.vector_load %arg6[%swap3A_401] {strides = array<i32>} : memref<2048xf32, #tpu.memory_space<vmem>>, vector<16xf32>,
          tpu.vector_store %arg6[%swap3A_401], %masked_sort3A_378 {strides = array<i32>} : memref<2048xf32, #tpu.memory_space<vmem>>, vector<16xf32>,
          %mul3A_403 = arith.constant 64 : i32
          %mul3A_404 = arith.muli %scan3A_291, %mul3A_403 : i32
          %add3A_405 = arith.constant 0 : i32
          %add3A_406 = arith.addi %mul3A_404, %add3A_405 : i32
          %swap3A_407 = arith.index_cast %add3A_406 : i32 to index
          %swap3A_408 = tpu.vector_load %arg7[%swap3A_407] {strides = array<i32>} : memref<2048xi32, #tpu.memory_space<vmem>>, vector<16xi32>,
          tpu.vector_store %arg7[%swap3A_407], %masked_sort3A_379 {strides = array<i32>} : memref<2048xi32, #tpu.memory_space<vmem>>, vector<16xi32>,
          %mul3A_409 = arith.constant 64 : i32
          %mul3A_410 = arith.muli %scan3A_291, %mul3A_409 : i32
          %add3A_411 = arith.constant 16 : i32
          %add3A_412 = arith.addi %mul3A_410, %add3A_411 : i32
          %swap3A_413 = arith.index_cast %add3A_412 : i32 to index
          %swap3A_414 = tpu.vector_load %arg6[%swap3A_413] {strides = array<i32>} : memref<2048xf32, #tpu.memory_space<vmem>>, vector<16xf32>,
          tpu.vector_store %arg6[%swap3A_413], %masked_sort3A_382 {strides = array<i32>} : memref<2048xf32, #tpu.memory_space<vmem>>, vector<16xf32>,
          %mul3A_415 = arith.constant 64 : i32
          %mul3A_416 = arith.muli %scan3A_291, %mul3A_415 : i32
          %add3A_417 = arith.constant 16 : i32
          %add3A_418 = arith.addi %mul3A_416, %add3A_417 : i32
          %swap3A_419 = arith.index_cast %add3A_418 : i32 to index
          %swap3A_420 = tpu.vector_load %arg7[%swap3A_419] {strides = array<i32>} : memref<2048xi32, #tpu.memory_space<vmem>>, vector<16xi32>,
          tpu.vector_store %arg7[%swap3A_419], %masked_sort3A_383 {strides = array<i32>} : memref<2048xi32, #tpu.memory_space<vmem>>, vector<16xi32>,
          %mul3A_421 = arith.constant 64 : i32
          %mul3A_422 = arith.muli %scan3A_291, %mul3A_421 : i32
          %add3A_423 = arith.constant 32 : i32
          %add3A_424 = arith.addi %mul3A_422, %add3A_423 : i32
          %swap3A_425 = arith.index_cast %add3A_424 : i32 to index
          %swap3A_426 = tpu.vector_load %arg6[%swap3A_425] {strides = array<i32>} : memref<2048xf32, #tpu.memory_space<vmem>>, vector<16xf32>,
          tpu.vector_store %arg6[%swap3A_425], %masked_sort3A_391 {strides = array<i32>} : memref<2048xf32, #tpu.memory_space<vmem>>, vector<16xf32>,
          %mul3A_427 = arith.constant 64 : i32
          %mul3A_428 = arith.muli %scan3A_291, %mul3A_427 : i32
          %add3A_429 = arith.constant 32 : i32
          %add3A_430 = arith.addi %mul3A_428, %add3A_429 : i32
          %swap3A_431 = arith.index_cast %add3A_430 : i32 to index
          %swap3A_432 = tpu.vector_load %arg7[%swap3A_431] {strides = array<i32>} : memref<2048xi32, #tpu.memory_space<vmem>>, vector<16xi32>,
          tpu.vector_store %arg7[%swap3A_431], %masked_sort3A_392 {strides = array<i32>} : memref<2048xi32, #tpu.memory_space<vmem>>, vector<16xi32>,
          %mul3A_433 = arith.constant 64 : i32
          %mul3A_434 = arith.muli %scan3A_291, %mul3A_433 : i32
          %add3A_435 = arith.constant 48 : i32
          %add3A_436 = arith.addi %mul3A_434, %add3A_435 : i32
          %swap3A_437 = arith.index_cast %add3A_436 : i32 to index
          %swap3A_438 = tpu.vector_load %arg6[%swap3A_437] {strides = array<i32>} : memref<2048xf32, #tpu.memory_space<vmem>>, vector<16xf32>,
          tpu.vector_store %arg6[%swap3A_437], %masked_sort3A_395 {strides = array<i32>} : memref<2048xf32, #tpu.memory_space<vmem>>, vector<16xf32>,
          %mul3A_439 = arith.constant 64 : i32
          %mul3A_440 = arith.muli %scan3A_291, %mul3A_439 : i32
          %add3A_441 = arith.constant 48 : i32
          %add3A_442 = arith.addi %mul3A_440, %add3A_441 : i32
          %swap3A_443 = arith.index_cast %add3A_442 : i32 to index
          %swap3A_444 = tpu.vector_load %arg7[%swap3A_443] {strides = array<i32>} : memref<2048xi32, #tpu.memory_space<vmem>>, vector<16xi32>,
          tpu.vector_store %arg7[%swap3A_443], %masked_sort3A_396 {strides = array<i32>} : memref<2048xi32, #tpu.memory_space<vmem>>, vector<16xi32>,
          %scan3A_445 = arith.constant 0 : i32
          scf.yield %scan3A_445 : i32
        }
        %scan3A_37 = arith.constant 32 : i32
        %scan3A_38 = arith.constant 0 : i32
        %scan3A_39 = arith.constant 0 : i32
        %scan3A_40 = arith.constant 16 : i32
        %scan3A_41 = arith.addi %scan3A_39, %scan3A_40 : i32
        %scan3A_42 = arith.constant 1 : i32
        %scan3A_43 = scf.for %scan3A_291 = %scan3A_39 to %scan3A_41 step %scan3A_42 iter_args(%scan3A_292 = %scan3A_38) -> (i32)  : i32 {
          %mul3A_293 = arith.constant 128 : i32
          %mul3A_294 = arith.muli %scan3A_291, %mul3A_293 : i32
          %add3A_295 = arith.constant 64 : i32
          %add3A_296 = arith.addi %mul3A_294, %add3A_295 : i32
          %add3A_297 = arith.constant 0 : i32
          %add3A_298 = arith.addi %mul3A_294, %add3A_297 : i32
          %get3A_299 = arith.index_cast %add3A_298 : i32 to index
          %get3A_300 = tpu.vector_load %arg6[%get3A_299] {strides = array<i32>} : memref<2048xf32, #tpu.memory_space<vmem>>, vector<16xf32>,
          %add3A_301 = arith.constant 16 : i32
          %add3A_302 = arith.addi %mul3A_294, %add3A_301 : i32
          %get3A_303 = arith.index_cast %add3A_302 : i32 to index
          %get3A_304 = tpu.vector_load %arg6[%get3A_303] {strides = array<i32>} : memref<2048xf32, #tpu.memory_space<vmem>>, vector<16xf32>,
          %add3A_305 = arith.constant 32 : i32
          %add3A_306 = arith.addi %mul3A_294, %add3A_305 : i32
          %get3A_307 = arith.index_cast %add3A_306 : i32 to index
          %get3A_308 = tpu.vector_load %arg6[%get3A_307] {strides = array<i32>} : memref<2048xf32, #tpu.memory_space<vmem>>, vector<16xf32>,
          %add3A_309 = arith.constant 48 : i32
          %add3A_310 = arith.addi %mul3A_294, %add3A_309 : i32
          %get3A_311 = arith.index_cast %add3A_310 : i32 to index
          %get3A_312 = tpu.vector_load %arg6[%get3A_311] {strides = array<i32>} : memref<2048xf32, #tpu.memory_space<vmem>>, vector<16xf32>,
          %add3A_313 = arith.constant 0 : i32
          %add3A_314 = arith.addi %mul3A_294, %add3A_313 : i32
          %get3A_315 = arith.index_cast %add3A_314 : i32 to index
          %get3A_316 = tpu.vector_load %arg7[%get3A_315] {strides = array<i32>} : memref<2048xi32, #tpu.memory_space<vmem>>, vector<16xi32>,
          %add3A_317 = arith.constant 16 : i32
          %add3A_318 = arith.addi %mul3A_294, %add3A_317 : i32
          %get3A_319 = arith.index_cast %add3A_318 : i32 to index
          %get3A_320 = tpu.vector_load %arg7[%get3A_319] {strides = array<i32>} : memref<2048xi32, #tpu.memory_space<vmem>>, vector<16xi32>,
          %add3A_321 = arith.constant 32 : i32
          %add3A_322 = arith.addi %mul3A_294, %add3A_321 : i32
          %get3A_323 = arith.index_cast %add3A_322 : i32 to index
          %get3A_324 = tpu.vector_load %arg7[%get3A_323] {strides = array<i32>} : memref<2048xi32, #tpu.memory_space<vmem>>, vector<16xi32>,
          %add3A_325 = arith.constant 48 : i32
          %add3A_326 = arith.addi %mul3A_294, %add3A_325 : i32
          %get3A_327 = arith.index_cast %add3A_326 : i32 to index
          %get3A_328 = tpu.vector_load %arg7[%get3A_327] {strides = array<i32>} : memref<2048xi32, #tpu.memory_space<vmem>>, vector<16xi32>,
          %add3A_329 = arith.constant 0 : i32
          %add3A_330 = arith.addi %add3A_296, %add3A_329 : i32
          %get3A_331 = arith.index_cast %add3A_330 : i32 to index
          %get3A_332 = tpu.vector_load %arg6[%get3A_331] {strides = array<i32>} : memref<2048xf32, #tpu.memory_space<vmem>>, vector<16xf32>,
          %add3A_333 = arith.constant 16 : i32
          %add3A_334 = arith.addi %add3A_296, %add3A_333 : i32
          %get3A_335 = arith.index_cast %add3A_334 : i32 to index
          %get3A_336 = tpu.vector_load %arg6[%get3A_335] {strides = array<i32>} : memref<2048xf32, #tpu.memory_space<vmem>>, vector<16xf32>,
          %add3A_337 = arith.constant 32 : i32
          %add3A_338 = arith.addi %add3A_296, %add3A_337 : i32
          %get3A_339 = arith.index_cast %add3A_338 : i32 to index
          %get3A_340 = tpu.vector_load %arg6[%get3A_339] {strides = array<i32>} : memref<2048xf32, #tpu.memory_space<vmem>>, vector<16xf32>,
          %add3A_341 = arith.constant 48 : i32
          %add3A_342 = arith.addi %add3A_296, %add3A_341 : i32
          %get3A_343 = arith.index_cast %add3A_342 : i32 to index
          %get3A_344 = tpu.vector_load %arg6[%get3A_343] {strides = array<i32>} : memref<2048xf32, #tpu.memory_space<vmem>>, vector<16xf32>,
          %add3A_345 = arith.constant 0 : i32
          %add3A_346 = arith.addi %add3A_296, %add3A_345 : i32
          %get3A_347 = arith.index_cast %add3A_346 : i32 to index
          %get3A_348 = tpu.vector_load %arg7[%get3A_347] {strides = array<i32>} : memref<2048xi32, #tpu.memory_space<vmem>>, vector<16xi32>,
          %add3A_349 = arith.constant 16 : i32
          %add3A_350 = arith.addi %add3A_296, %add3A_349 : i32
          %get3A_351 = arith.index_cast %add3A_350 : i32 to index
          %get3A_352 = tpu.vector_load %arg7[%get3A_351] {strides = array<i32>} : memref<2048xi32, #tpu.memory_space<vmem>>, vector<16xi32>,
          %add3A_353 = arith.constant 32 : i32
          %add3A_354 = arith.addi %add3A_296, %add3A_353 : i32
          %get3A_355 = arith.index_cast %add3A_354 : i32 to index
          %get3A_356 = tpu.vector_load %arg7[%get3A_355] {strides = array<i32>} : memref<2048xi32, #tpu.memory_space<vmem>>, vector<16xi32>,
          %add3A_357 = arith.constant 48 : i32
          %add3A_358 = arith.addi %add3A_296, %add3A_357 : i32
          %get3A_359 = arith.index_cast %add3A_358 : i32 to index
          %get3A_360 = tpu.vector_load %arg7[%get3A_359] {strides = array<i32>} : memref<2048xi32, #tpu.memory_space<vmem>>, vector<16xi32>,
          %rev3A_361 = arith.constant 15 : i32
          %rev3A_362 = vector.broadcast %rev3A_361 : i32 to vector<16xi32>
          %rev3A_363 = tpu.iota {dimensions = array<i32: 0>} : vector<16xi32>
          %rev3A_364 = arith.subi %rev3A_362, %rev3A_363 : vector<16xi32>
          %rev3A_365 = tpu.dynamic_gather %get3A_344[%rev3A_364] in [0] : vector<16xf32>, vector<16xi32> -> vector<16xf32>
          %rev3A_366 = arith.constant 15 : i32
          %rev3A_367 = vector.broadcast %rev3A_366 : i32 to vector<16xi32>
          %rev3A_368 = tpu.iota {dimensions = array<i32: 0>} : vector<16xi32>
          %rev3A_369 = arith.subi %rev3A_367, %rev3A_368 : vector<16xi32>
          %rev3A_370 = tpu.dynamic_gather %get3A_340[%rev3A_369] in [0] : vector<16xf32>, vector<16xi32> -> vector<16xf32>
          %rev3A_371 = arith.constant 15 : i32
          %rev3A_372 = vector.broadcast %rev3A_371 : i32 to vector<16xi32>
          %rev3A_373 = tpu.iota {dimensions = array<i32: 0>} : vector<16xi32>
          %rev3A_374 = arith.subi %rev3A_372, %rev3A_373 : vector<16xi32>
          %rev3A_375 = tpu.dynamic_gather %get3A_336[%rev3A_374] in [0] : vector<16xf32>, vector<16xi32> -> vector<16xf32>
          %rev3A_376 = arith.constant 15 : i32
          %rev3A_377 = vector.broadcast %rev3A_376 : i32 to vector<16xi32>
          %rev3A_378 = tpu.iota {dimensions = array<i32: 0>} : vector<16xi32>
          %rev3A_379 = arith.subi %rev3A_377, %rev3A_378 : vector<16xi32>
          %rev3A_380 = tpu.dynamic_gather %get3A_332[%rev3A_379] in [0] : vector<16xf32>, vector<16xi32> -> vector<16xf32>
          %rev3A_381 = arith.constant 15 : i32
          %rev3A_382 = vector.broadcast %rev3A_381 : i32 to vector<16xi32>
          %rev3A_383 = tpu.iota {dimensions = array<i32: 0>} : vector<16xi32>
          %rev3A_384 = arith.subi %rev3A_382, %rev3A_383 : vector<16xi32>
          %rev3A_385 = tpu.dynamic_gather %get3A_360[%rev3A_384] in [0] : vector<16xi32>, vector<16xi32> -> vector<16xi32>
          %rev3A_386 = arith.constant 15 : i32
          %rev3A_387 = vector.broadcast %rev3A_386 : i32 to vector<16xi32>
          %rev3A_388 = tpu.iota {dimensions = array<i32: 0>} : vector<16xi32>
          %rev3A_389 = arith.subi %rev3A_387, %rev3A_388 : vector<16xi32>
          %rev3A_390 = tpu.dynamic_gather %get3A_356[%rev3A_389] in [0] : vector<16xi32>, vector<16xi32> -> vector<16xi32>
          %rev3A_391 = arith.constant 15 : i32
          %rev3A_392 = vector.broadcast %rev3A_391 : i32 to vector<16xi32>
          %rev3A_393 = tpu.iota {dimensions = array<i32: 0>} : vector<16xi32>
          %rev3A_394 = arith.subi %rev3A_392, %rev3A_393 : vector<16xi32>
          %rev3A_395 = tpu.dynamic_gather %get3A_352[%rev3A_394] in [0] : vector<16xi32>, vector<16xi32> -> vector<16xi32>
          %rev3A_396 = arith.constant 15 : i32
          %rev3A_397 = vector.broadcast %rev3A_396 : i32 to vector<16xi32>
          %rev3A_398 = tpu.iota {dimensions = array<i32: 0>} : vector<16xi32>
          %rev3A_399 = arith.subi %rev3A_397, %rev3A_398 : vector<16xi32>
          %rev3A_400 = tpu.dynamic_gather %get3A_348[%rev3A_399] in [0] : vector<16xi32>, vector<16xi32> -> vector<16xi32>
          %lt3A_401 = arith.cmpf olt, %rev3A_365, %get3A_300 : vector<16xf32>
          %select_n3A_402 = arith.select %lt3A_401, %rev3A_365, %get3A_300 : vector<16xi1>, vector<16xf32>
          %select_n3A_403 = arith.select %lt3A_401, %get3A_300, %rev3A_365 : vector<16xi1>, vector<16xf32>
          %select_n3A_404 = arith.select %lt3A_401, %rev3A_385, %get3A_316 : vector<16xi1>, vector<16xi32>
          %select_n3A_405 = arith.select %lt3A_401, %get3A_316, %rev3A_385 : vector<16xi1>, vector<16xi32>
          %lt3A_406 = arith.cmpf olt, %rev3A_370, %get3A_304 : vector<16xf32>
          %select_n3A_407 = arith.select %lt3A_406, %rev3A_370, %get3A_304 : vector<16xi1>, vector<16xf32>
          %select_n3A_408 = arith.select %lt3A_406, %get3A_304, %rev3A_370 : vector<16xi1>, vector<16xf32>
          %select_n3A_409 = arith.select %lt3A_406, %rev3A_390, %get3A_320 : vector<16xi1>, vector<16xi32>
          %select_n3A_410 = arith.select %lt3A_406, %get3A_320, %rev3A_390 : vector<16xi1>, vector<16xi32>
          %lt3A_411 = arith.cmpf olt, %rev3A_375, %get3A_308 : vector<16xf32>
          %select_n3A_412 = arith.select %lt3A_411, %rev3A_375, %get3A_308 : vector<16xi1>, vector<16xf32>
          %select_n3A_413 = arith.select %lt3A_411, %get3A_308, %rev3A_375 : vector<16xi1>, vector<16xf32>
          %select_n3A_414 = arith.select %lt3A_411, %rev3A_395, %get3A_324 : vector<16xi1>, vector<16xi32>
          %select_n3A_415 = arith.select %lt3A_411, %get3A_324, %rev3A_395 : vector<16xi1>, vector<16xi32>
          %lt3A_416 = arith.cmpf olt, %rev3A_380, %get3A_312 : vector<16xf32>
          %select_n3A_417 = arith.select %lt3A_416, %rev3A_380, %get3A_312 : vector<16xi1>, vector<16xf32>
          %select_n3A_418 = arith.select %lt3A_416, %get3A_312, %rev3A_380 : vector<16xi1>, vector<16xf32>
          %select_n3A_419 = arith.select %lt3A_416, %rev3A_400, %get3A_328 : vector<16xi1>, vector<16xi32>
          %select_n3A_420 = arith.select %lt3A_416, %get3A_328, %rev3A_400 : vector<16xi1>, vector<16xi32>
          %lt3A_421 = arith.cmpf olt, %select_n3A_412, %select_n3A_402 : vector<16xf32>
          %select_n3A_422 = arith.select %lt3A_421, %select_n3A_412, %select_n3A_402 : vector<16xi1>, vector<16xf32>
          %select_n3A_423 = arith.select %lt3A_421, %select_n3A_402, %select_n3A_412 : vector<16xi1>, vector<16xf32>
          %select_n3A_424 = arith.select %lt3A_421, %select_n3A_414, %select_n3A_404 : vector<16xi1>, vector<16xi32>
          %select_n3A_425 = arith.select %lt3A_421, %select_n3A_404, %select_n3A_414 : vector<16xi1>, vector<16xi32>
          %lt3A_426 = arith.cmpf olt, %select_n3A_417, %select_n3A_407 : vector<16xf32>
          %select_n3A_427 = arith.select %lt3A_426, %select_n3A_417, %select_n3A_407 : vector<16xi1>, vector<16xf32>
          %select_n3A_428 = arith.select %lt3A_426, %select_n3A_407, %select_n3A_417 : vector<16xi1>, vector<16xf32>
          %select_n3A_429 = arith.select %lt3A_426, %select_n3A_419, %select_n3A_409 : vector<16xi1>, vector<16xi32>
          %select_n3A_430 = arith.select %lt3A_426, %select_n3A_409, %select_n3A_419 : vector<16xi1>, vector<16xi32>
          %lt3A_431 = arith.cmpf olt, %select_n3A_427, %select_n3A_422 : vector<16xf32>
          %select_n3A_432 = arith.select %lt3A_431, %select_n3A_427, %select_n3A_422 : vector<16xi1>, vector<16xf32>
          %select_n3A_433 = arith.select %lt3A_431, %select_n3A_422, %select_n3A_427 : vector<16xi1>, vector<16xf32>
          %select_n3A_434 = arith.select %lt3A_431, %select_n3A_429, %select_n3A_424 : vector<16xi1>, vector<16xi32>
          %select_n3A_435 = arith.select %lt3A_431, %select_n3A_424, %select_n3A_429 : vector<16xi1>, vector<16xi32>
          %masked_sort3A_436 = arith.constant dense<true> : vector<16xi1>
          %masked_sort3A_437, %masked_sort3A_438, %masked_sort3A_439 = tpu.sort %select_n3A_432, %select_n3A_434 masked %masked_sort3A_436 : (vector<16xf32>, vector<16xi32>, vector<16xi1>) -> (vector<16xi1>, vector<16xf32>, vector<16xi32>)
          %masked_sort3A_440 = arith.constant dense<true> : vector<16xi1>
          %masked_sort3A_441, %masked_sort3A_442, %masked_sort3A_443 = tpu.sort %select_n3A_433, %select_n3A_435 masked %masked_sort3A_440 : (vector<16xf32>, vector<16xi32>, vector<16xi1>) -> (vector<16xi1>, vector<16xf32>, vector<16xi32>)
          %lt3A_444 = arith.cmpf olt, %select_n3A_428, %select_n3A_423 : vector<16xf32>
          %select_n3A_445 = arith.select %lt3A_444, %select_n3A_428, %select_n3A_423 : vector<16xi1>, vector<16xf32>
          %select_n3A_446 = arith.select %lt3A_444, %select_n3A_423, %select_n3A_428 : vector<16xi1>, vector<16xf32>
          %select_n3A_447 = arith.select %lt3A_444, %select_n3A_430, %select_n3A_425 : vector<16xi1>, vector<16xi32>
          %select_n3A_448 = arith.select %lt3A_444, %select_n3A_425, %select_n3A_430 : vector<16xi1>, vector<16xi32>
          %masked_sort3A_449 = arith.constant dense<true> : vector<16xi1>
          %masked_sort3A_450, %masked_sort3A_451, %masked_sort3A_452 = tpu.sort %select_n3A_445, %select_n3A_447 masked %masked_sort3A_449 : (vector<16xf32>, vector<16xi32>, vector<16xi1>) -> (vector<16xi1>, vector<16xf32>, vector<16xi32>)
          %masked_sort3A_453 = arith.constant dense<true> : vector<16xi1>
          %masked_sort3A_454, %masked_sort3A_455, %masked_sort3A_456 = tpu.sort %select_n3A_446, %select_n3A_448 masked %masked_sort3A_453 : (vector<16xf32>, vector<16xi32>, vector<16xi1>) -> (vector<16xi1>, vector<16xf32>, vector<16xi32>)
          %add3A_457 = arith.constant 0 : i32
          %add3A_458 = arith.addi %mul3A_294, %add3A_457 : i32
          %swap3A_459 = arith.index_cast %add3A_458 : i32 to index
          %swap3A_460 = tpu.vector_load %arg6[%swap3A_459] {strides = array<i32>} : memref<2048xf32, #tpu.memory_space<vmem>>, vector<16xf32>,
          tpu.vector_store %arg6[%swap3A_459], %masked_sort3A_438 {strides = array<i32>} : memref<2048xf32, #tpu.memory_space<vmem>>, vector<16xf32>,
          %add3A_461 = arith.constant 0 : i32
          %add3A_462 = arith.addi %mul3A_294, %add3A_461 : i32
          %swap3A_463 = arith.index_cast %add3A_462 : i32 to index
          %swap3A_464 = tpu.vector_load %arg7[%swap3A_463] {strides = array<i32>} : memref<2048xi32, #tpu.memory_space<vmem>>, vector<16xi32>,
          tpu.vector_store %arg7[%swap3A_463], %masked_sort3A_439 {strides = array<i32>} : memref<2048xi32, #tpu.memory_space<vmem>>, vector<16xi32>,
          %add3A_465 = arith.constant 16 : i32
          %add3A_466 = arith.addi %mul3A_294, %add3A_465 : i32
          %swap3A_467 = arith.index_cast %add3A_466 : i32 to index
          %swap3A_468 = tpu.vector_load %arg6[%swap3A_467] {strides = array<i32>} : memref<2048xf32, #tpu.memory_space<vmem>>, vector<16xf32>,
          tpu.vector_store %arg6[%swap3A_467], %masked_sort3A_442 {strides = array<i32>} : memref<2048xf32, #tpu.memory_space<vmem>>, vector<16xf32>,
          %add3A_469 = arith.constant 16 : i32
          %add3A_470 = arith.addi %mul3A_294, %add3A_469 : i32
          %swap3A_471 = arith.index_cast %add3A_470 : i32 to index
          %swap3A_472 = tpu.vector_load %arg7[%swap3A_471] {strides = array<i32>} : memref<2048xi32, #tpu.memory_space<vmem>>, vector<16xi32>,
          tpu.vector_store %arg7[%swap3A_471], %masked_sort3A_443 {strides = array<i32>} : memref<2048xi32, #tpu.memory_space<vmem>>, vector<16xi32>,
          %add3A_473 = arith.constant 32 : i32
          %add3A_474 = arith.addi %mul3A_294, %add3A_473 : i32
          %swap3A_475 = arith.index_cast %add3A_474 : i32 to index
          %swap3A_476 = tpu.vector_load %arg6[%swap3A_475] {strides = array<i32>} : memref<2048xf32, #tpu.memory_space<vmem>>, vector<16xf32>,
          tpu.vector_store %arg6[%swap3A_475], %masked_sort3A_451 {strides = array<i32>} : memref<2048xf32, #tpu.memory_space<vmem>>, vector<16xf32>,
          %add3A_477 = arith.constant 32 : i32
          %add3A_478 = arith.addi %mul3A_294, %add3A_477 : i32
          %swap3A_479 = arith.index_cast %add3A_478 : i32 to index
          %swap3A_480 = tpu.vector_load %arg7[%swap3A_479] {strides = array<i32>} : memref<2048xi32, #tpu.memory_space<vmem>>, vector<16xi32>,
          tpu.vector_store %arg7[%swap3A_479], %masked_sort3A_452 {strides = array<i32>} : memref<2048xi32, #tpu.memory_space<vmem>>, vector<16xi32>,
          %add3A_481 = arith.constant 48 : i32
          %add3A_482 = arith.addi %mul3A_294, %add3A_481 : i32
          %swap3A_483 = arith.index_cast %add3A_482 : i32 to index
          %swap3A_484 = tpu.vector_load %arg6[%swap3A_483] {strides = array<i32>} : memref<2048xf32, #tpu.memory_space<vmem>>, vector<16xf32>,
          tpu.vector_store %arg6[%swap3A_483], %masked_sort3A_455 {strides = array<i32>} : memref<2048xf32, #tpu.memory_space<vmem>>, vector<16xf32>,
          %add3A_485 = arith.constant 48 : i32
          %add3A_486 = arith.addi %mul3A_294, %add3A_485 : i32
          %swap3A_487 = arith.index_cast %add3A_486 : i32 to index
          %swap3A_488 = tpu.vector_load %arg7[%swap3A_487] {strides = array<i32>} : memref<2048xi32, #tpu.memory_space<vmem>>, vector<16xi32>,
          tpu.vector_store %arg7[%swap3A_487], %masked_sort3A_456 {strides = array<i32>} : memref<2048xi32, #tpu.memory_space<vmem>>, vector<16xi32>,
          %scan3A_489 = arith.constant 0 : i32
          scf.yield %scan3A_489 : i32
        }
        %scan3A_44 = arith.constant 16 : i32
        %scan3A_45 = arith.constant 0 : i32
        %scan3A_46 = arith.constant 0 : i32
        %scan3A_47 = arith.constant 8 : i32
        %scan3A_48 = arith.addi %scan3A_46, %scan3A_47 : i32
        %scan3A_49 = arith.constant 1 : i32
        %scan3A_50 = scf.for %scan3A_291 = %scan3A_46 to %scan3A_48 step %scan3A_49 iter_args(%scan3A_292 = %scan3A_45) -> (i32)  : i32 {
          %mul3A_293 = arith.constant 256 : i32
          %mul3A_294 = arith.muli %scan3A_291, %mul3A_293 : i32
          %add3A_295 = arith.constant 128 : i32
          %add3A_296 = arith.addi %mul3A_294, %add3A_295 : i32
          %add3A_297 = arith.constant 0 : i32
          %add3A_298 = arith.addi %mul3A_294, %add3A_297 : i32
          %get3A_299 = arith.index_cast %add3A_298 : i32 to index
          %get3A_300 = tpu.vector_load %arg6[%get3A_299] {strides = array<i32>} : memref<2048xf32, #tpu.memory_space<vmem>>, vector<16xf32>,
          %add3A_301 = arith.constant 16 : i32
          %add3A_302 = arith.addi %mul3A_294, %add3A_301 : i32
          %get3A_303 = arith.index_cast %add3A_302 : i32 to index
          %get3A_304 = tpu.vector_load %arg6[%get3A_303] {strides = array<i32>} : memref<2048xf32, #tpu.memory_space<vmem>>, vector<16xf32>,
          %add3A_305 = arith.constant 32 : i32
          %add3A_306 = arith.addi %mul3A_294, %add3A_305 : i32
          %get3A_307 = arith.index_cast %add3A_306 : i32 to index
          %get3A_308 = tpu.vector_load %arg6[%get3A_307] {strides = array<i32>} : memref<2048xf32, #tpu.memory_space<vmem>>, vector<16xf32>,
          %add3A_309 = arith.constant 48 : i32
          %add3A_310 = arith.addi %mul3A_294, %add3A_309 : i32
          %get3A_311 = arith.index_cast %add3A_310 : i32 to index
          %get3A_312 = tpu.vector_load %arg6[%get3A_311] {strides = array<i32>} : memref<2048xf32, #tpu.memory_space<vmem>>, vector<16xf32>,
          %add3A_313 = arith.constant 0 : i32
          %add3A_314 = arith.addi %mul3A_294, %add3A_313 : i32
          %get3A_315 = arith.index_cast %add3A_314 : i32 to index
          %get3A_316 = tpu.vector_load %arg7[%get3A_315] {strides = array<i32>} : memref<2048xi32, #tpu.memory_space<vmem>>, vector<16xi32>,
          %add3A_317 = arith.constant 16 : i32
          %add3A_318 = arith.addi %mul3A_294, %add3A_317 : i32
          %get3A_319 = arith.index_cast %add3A_318 : i32 to index
          %get3A_320 = tpu.vector_load %arg7[%get3A_319] {strides = array<i32>} : memref<2048xi32, #tpu.memory_space<vmem>>, vector<16xi32>,
          %add3A_321 = arith.constant 32 : i32
          %add3A_322 = arith.addi %mul3A_294, %add3A_321 : i32
          %get3A_323 = arith.index_cast %add3A_322 : i32 to index
          %get3A_324 = tpu.vector_load %arg7[%get3A_323] {strides = array<i32>} : memref<2048xi32, #tpu.memory_space<vmem>>, vector<16xi32>,
          %add3A_325 = arith.constant 48 : i32
          %add3A_326 = arith.addi %mul3A_294, %add3A_325 : i32
          %get3A_327 = arith.index_cast %add3A_326 : i32 to index
          %get3A_328 = tpu.vector_load %arg7[%get3A_327] {strides = array<i32>} : memref<2048xi32, #tpu.memory_space<vmem>>, vector<16xi32>,
          %add3A_329 = arith.constant 0 : i32
          %add3A_330 = arith.addi %add3A_296, %add3A_329 : i32
          %get3A_331 = arith.index_cast %add3A_330 : i32 to index
          %get3A_332 = tpu.vector_load %arg6[%get3A_331] {strides = array<i32>} : memref<2048xf32, #tpu.memory_space<vmem>>, vector<16xf32>,
          %add3A_333 = arith.constant 16 : i32
          %add3A_334 = arith.addi %add3A_296, %add3A_333 : i32
          %get3A_335 = arith.index_cast %add3A_334 : i32 to index
          %get3A_336 = tpu.vector_load %arg6[%get3A_335] {strides = array<i32>} : memref<2048xf32, #tpu.memory_space<vmem>>, vector<16xf32>,
          %add3A_337 = arith.constant 32 : i32
          %add3A_338 = arith.addi %add3A_296, %add3A_337 : i32
          %get3A_339 = arith.index_cast %add3A_338 : i32 to index
          %get3A_340 = tpu.vector_load %arg6[%get3A_339] {strides = array<i32>} : memref<2048xf32, #tpu.memory_space<vmem>>, vector<16xf32>,
          %add3A_341 = arith.constant 48 : i32
          %add3A_342 = arith.addi %add3A_296, %add3A_341 : i32
          %get3A_343 = arith.index_cast %add3A_342 : i32 to index
          %get3A_344 = tpu.vector_load %arg6[%get3A_343] {strides = array<i32>} : memref<2048xf32, #tpu.memory_space<vmem>>, vector<16xf32>,
          %add3A_345 = arith.constant 0 : i32
          %add3A_346 = arith.addi %add3A_296, %add3A_345 : i32
          %get3A_347 = arith.index_cast %add3A_346 : i32 to index
          %get3A_348 = tpu.vector_load %arg7[%get3A_347] {strides = array<i32>} : memref<2048xi32, #tpu.memory_space<vmem>>, vector<16xi32>,
          %add3A_349 = arith.constant 16 : i32
          %add3A_350 = arith.addi %add3A_296, %add3A_349 : i32
          %get3A_351 = arith.index_cast %add3A_350 : i32 to index
          %get3A_352 = tpu.vector_load %arg7[%get3A_351] {strides = array<i32>} : memref<2048xi32, #tpu.memory_space<vmem>>, vector<16xi32>,
          %add3A_353 = arith.constant 32 : i32
          %add3A_354 = arith.addi %add3A_296, %add3A_353 : i32
          %get3A_355 = arith.index_cast %add3A_354 : i32 to index
          %get3A_356 = tpu.vector_load %arg7[%get3A_355] {strides = array<i32>} : memref<2048xi32, #tpu.memory_space<vmem>>, vector<16xi32>,
          %add3A_357 = arith.constant 48 : i32
          %add3A_358 = arith.addi %add3A_296, %add3A_357 : i32
          %get3A_359 = arith.index_cast %add3A_358 : i32 to index
          %get3A_360 = tpu.vector_load %arg7[%get3A_359] {strides = array<i32>} : memref<2048xi32, #tpu.memory_space<vmem>>, vector<16xi32>,
          %rev3A_361 = arith.constant 15 : i32
          %rev3A_362 = vector.broadcast %rev3A_361 : i32 to vector<16xi32>
          %rev3A_363 = tpu.iota {dimensions = array<i32: 0>} : vector<16xi32>
          %rev3A_364 = arith.subi %rev3A_362, %rev3A_363 : vector<16xi32>
          %rev3A_365 = tpu.dynamic_gather %get3A_344[%rev3A_364] in [0] : vector<16xf32>, vector<16xi32> -> vector<16xf32>
          %rev3A_366 = arith.constant 15 : i32
          %rev3A_367 = vector.broadcast %rev3A_366 : i32 to vector<16xi32>
          %rev3A_368 = tpu.iota {dimensions = array<i32: 0>} : vector<16xi32>
          %rev3A_369 = arith.subi %rev3A_367, %rev3A_368 : vector<16xi32>
          %rev3A_370 = tpu.dynamic_gather %get3A_340[%rev3A_369] in [0] : vector<16xf32>, vector<16xi32> -> vector<16xf32>
          %rev3A_371 = arith.constant 15 : i32
          %rev3A_372 = vector.broadcast %rev3A_371 : i32 to vector<16xi32>
          %rev3A_373 = tpu.iota {dimensions = array<i32: 0>} : vector<16xi32>
          %rev3A_374 = arith.subi %rev3A_372, %rev3A_373 : vector<16xi32>
          %rev3A_375 = tpu.dynamic_gather %get3A_336[%rev3A_374] in [0] : vector<16xf32>, vector<16xi32> -> vector<16xf32>
          %rev3A_376 = arith.constant 15 : i32
          %rev3A_377 = vector.broadcast %rev3A_376 : i32 to vector<16xi32>
          %rev3A_378 = tpu.iota {dimensions = array<i32: 0>} : vector<16xi32>
          %rev3A_379 = arith.subi %rev3A_377, %rev3A_378 : vector<16xi32>
          %rev3A_380 = tpu.dynamic_gather %get3A_332[%rev3A_379] in [0] : vector<16xf32>, vector<16xi32> -> vector<16xf32>
          %rev3A_381 = arith.constant 15 : i32
          %rev3A_382 = vector.broadcast %rev3A_381 : i32 to vector<16xi32>
          %rev3A_383 = tpu.iota {dimensions = array<i32: 0>} : vector<16xi32>
          %rev3A_384 = arith.subi %rev3A_382, %rev3A_383 : vector<16xi32>
          %rev3A_385 = tpu.dynamic_gather %get3A_360[%rev3A_384] in [0] : vector<16xi32>, vector<16xi32> -> vector<16xi32>
          %rev3A_386 = arith.constant 15 : i32
          %rev3A_387 = vector.broadcast %rev3A_386 : i32 to vector<16xi32>
          %rev3A_388 = tpu.iota {dimensions = array<i32: 0>} : vector<16xi32>
          %rev3A_389 = arith.subi %rev3A_387, %rev3A_388 : vector<16xi32>
          %rev3A_390 = tpu.dynamic_gather %get3A_356[%rev3A_389] in [0] : vector<16xi32>, vector<16xi32> -> vector<16xi32>
          %rev3A_391 = arith.constant 15 : i32
          %rev3A_392 = vector.broadcast %rev3A_391 : i32 to vector<16xi32>
          %rev3A_393 = tpu.iota {dimensions = array<i32: 0>} : vector<16xi32>
          %rev3A_394 = arith.subi %rev3A_392, %rev3A_393 : vector<16xi32>
          %rev3A_395 = tpu.dynamic_gather %get3A_352[%rev3A_394] in [0] : vector<16xi32>, vector<16xi32> -> vector<16xi32>
          %rev3A_396 = arith.constant 15 : i32
          %rev3A_397 = vector.broadcast %rev3A_396 : i32 to vector<16xi32>
          %rev3A_398 = tpu.iota {dimensions = array<i32: 0>} : vector<16xi32>
          %rev3A_399 = arith.subi %rev3A_397, %rev3A_398 : vector<16xi32>
          %rev3A_400 = tpu.dynamic_gather %get3A_348[%rev3A_399] in [0] : vector<16xi32>, vector<16xi32> -> vector<16xi32>
          %lt3A_401 = arith.cmpf olt, %rev3A_365, %get3A_300 : vector<16xf32>
          %select_n3A_402 = arith.select %lt3A_401, %rev3A_365, %get3A_300 : vector<16xi1>, vector<16xf32>
          %select_n3A_403 = arith.select %lt3A_401, %get3A_300, %rev3A_365 : vector<16xi1>, vector<16xf32>
          %select_n3A_404 = arith.select %lt3A_401, %rev3A_385, %get3A_316 : vector<16xi1>, vector<16xi32>
          %select_n3A_405 = arith.select %lt3A_401, %get3A_316, %rev3A_385 : vector<16xi1>, vector<16xi32>
          %lt3A_406 = arith.cmpf olt, %rev3A_370, %get3A_304 : vector<16xf32>
          %select_n3A_407 = arith.select %lt3A_406, %rev3A_370, %get3A_304 : vector<16xi1>, vector<16xf32>
          %select_n3A_408 = arith.select %lt3A_406, %get3A_304, %rev3A_370 : vector<16xi1>, vector<16xf32>
          %select_n3A_409 = arith.select %lt3A_406, %rev3A_390, %get3A_320 : vector<16xi1>, vector<16xi32>
          %select_n3A_410 = arith.select %lt3A_406, %get3A_320, %rev3A_390 : vector<16xi1>, vector<16xi32>
          %lt3A_411 = arith.cmpf olt, %rev3A_375, %get3A_308 : vector<16xf32>
          %select_n3A_412 = arith.select %lt3A_411, %rev3A_375, %get3A_308 : vector<16xi1>, vector<16xf32>
          %select_n3A_413 = arith.select %lt3A_411, %get3A_308, %rev3A_375 : vector<16xi1>, vector<16xf32>
          %select_n3A_414 = arith.select %lt3A_411, %rev3A_395, %get3A_324 : vector<16xi1>, vector<16xi32>
          %select_n3A_415 = arith.select %lt3A_411, %get3A_324, %rev3A_395 : vector<16xi1>, vector<16xi32>
          %lt3A_416 = arith.cmpf olt, %rev3A_380, %get3A_312 : vector<16xf32>
          %select_n3A_417 = arith.select %lt3A_416, %rev3A_380, %get3A_312 : vector<16xi1>, vector<16xf32>
          %select_n3A_418 = arith.select %lt3A_416, %get3A_312, %rev3A_380 : vector<16xi1>, vector<16xf32>
          %select_n3A_419 = arith.select %lt3A_416, %rev3A_400, %get3A_328 : vector<16xi1>, vector<16xi32>
          %select_n3A_420 = arith.select %lt3A_416, %get3A_328, %rev3A_400 : vector<16xi1>, vector<16xi32>
          %lt3A_421 = arith.cmpf olt, %select_n3A_412, %select_n3A_402 : vector<16xf32>
          %select_n3A_422 = arith.select %lt3A_421, %select_n3A_412, %select_n3A_402 : vector<16xi1>, vector<16xf32>
          %select_n3A_423 = arith.select %lt3A_421, %select_n3A_402, %select_n3A_412 : vector<16xi1>, vector<16xf32>
          %select_n3A_424 = arith.select %lt3A_421, %select_n3A_414, %select_n3A_404 : vector<16xi1>, vector<16xi32>
          %select_n3A_425 = arith.select %lt3A_421, %select_n3A_404, %select_n3A_414 : vector<16xi1>, vector<16xi32>
          %lt3A_426 = arith.cmpf olt, %select_n3A_417, %select_n3A_407 : vector<16xf32>
          %select_n3A_427 = arith.select %lt3A_426, %select_n3A_417, %select_n3A_407 : vector<16xi1>, vector<16xf32>
          %select_n3A_428 = arith.select %lt3A_426, %select_n3A_407, %select_n3A_417 : vector<16xi1>, vector<16xf32>
          %select_n3A_429 = arith.select %lt3A_426, %select_n3A_419, %select_n3A_409 : vector<16xi1>, vector<16xi32>
          %select_n3A_430 = arith.select %lt3A_426, %select_n3A_409, %select_n3A_419 : vector<16xi1>, vector<16xi32>
          %lt3A_431 = arith.cmpf olt, %select_n3A_427, %select_n3A_422 : vector<16xf32>
          %select_n3A_432 = arith.select %lt3A_431, %select_n3A_427, %select_n3A_422 : vector<16xi1>, vector<16xf32>
          %select_n3A_433 = arith.select %lt3A_431, %select_n3A_422, %select_n3A_427 : vector<16xi1>, vector<16xf32>
          %select_n3A_434 = arith.select %lt3A_431, %select_n3A_429, %select_n3A_424 : vector<16xi1>, vector<16xi32>
          %select_n3A_435 = arith.select %lt3A_431, %select_n3A_424, %select_n3A_429 : vector<16xi1>, vector<16xi32>
          %masked_sort3A_436 = arith.constant dense<true> : vector<16xi1>
          %masked_sort3A_437, %masked_sort3A_438, %masked_sort3A_439 = tpu.sort %select_n3A_432, %select_n3A_434 masked %masked_sort3A_436 : (vector<16xf32>, vector<16xi32>, vector<16xi1>) -> (vector<16xi1>, vector<16xf32>, vector<16xi32>)
          %masked_sort3A_440 = arith.constant dense<true> : vector<16xi1>
          %masked_sort3A_441, %masked_sort3A_442, %masked_sort3A_443 = tpu.sort %select_n3A_433, %select_n3A_435 masked %masked_sort3A_440 : (vector<16xf32>, vector<16xi32>, vector<16xi1>) -> (vector<16xi1>, vector<16xf32>, vector<16xi32>)
          %lt3A_444 = arith.cmpf olt, %select_n3A_428, %select_n3A_423 : vector<16xf32>
          %select_n3A_445 = arith.select %lt3A_444, %select_n3A_428, %select_n3A_423 : vector<16xi1>, vector<16xf32>
          %select_n3A_446 = arith.select %lt3A_444, %select_n3A_423, %select_n3A_428 : vector<16xi1>, vector<16xf32>
          %select_n3A_447 = arith.select %lt3A_444, %select_n3A_430, %select_n3A_425 : vector<16xi1>, vector<16xi32>
          %select_n3A_448 = arith.select %lt3A_444, %select_n3A_425, %select_n3A_430 : vector<16xi1>, vector<16xi32>
          %masked_sort3A_449 = arith.constant dense<true> : vector<16xi1>
          %masked_sort3A_450, %masked_sort3A_451, %masked_sort3A_452 = tpu.sort %select_n3A_445, %select_n3A_447 masked %masked_sort3A_449 : (vector<16xf32>, vector<16xi32>, vector<16xi1>) -> (vector<16xi1>, vector<16xf32>, vector<16xi32>)
          %masked_sort3A_453 = arith.constant dense<true> : vector<16xi1>
          %masked_sort3A_454, %masked_sort3A_455, %masked_sort3A_456 = tpu.sort %select_n3A_446, %select_n3A_448 masked %masked_sort3A_453 : (vector<16xf32>, vector<16xi32>, vector<16xi1>) -> (vector<16xi1>, vector<16xf32>, vector<16xi32>)
          %add3A_457 = arith.constant 0 : i32
          %add3A_458 = arith.addi %mul3A_294, %add3A_457 : i32
          %swap3A_459 = arith.index_cast %add3A_458 : i32 to index
          %swap3A_460 = tpu.vector_load %arg6[%swap3A_459] {strides = array<i32>} : memref<2048xf32, #tpu.memory_space<vmem>>, vector<16xf32>,
          tpu.vector_store %arg6[%swap3A_459], %masked_sort3A_438 {strides = array<i32>} : memref<2048xf32, #tpu.memory_space<vmem>>, vector<16xf32>,
          %add3A_461 = arith.constant 0 : i32
          %add3A_462 = arith.addi %mul3A_294, %add3A_461 : i32
          %swap3A_463 = arith.index_cast %add3A_462 : i32 to index
          %swap3A_464 = tpu.vector_load %arg7[%swap3A_463] {strides = array<i32>} : memref<2048xi32, #tpu.memory_space<vmem>>, vector<16xi32>,
          tpu.vector_store %arg7[%swap3A_463], %masked_sort3A_439 {strides = array<i32>} : memref<2048xi32, #tpu.memory_space<vmem>>, vector<16xi32>,
          %add3A_465 = arith.constant 16 : i32
          %add3A_466 = arith.addi %mul3A_294, %add3A_465 : i32
          %swap3A_467 = arith.index_cast %add3A_466 : i32 to index
          %swap3A_468 = tpu.vector_load %arg6[%swap3A_467] {strides = array<i32>} : memref<2048xf32, #tpu.memory_space<vmem>>, vector<16xf32>,
          tpu.vector_store %arg6[%swap3A_467], %masked_sort3A_442 {strides = array<i32>} : memref<2048xf32, #tpu.memory_space<vmem>>, vector<16xf32>,
          %add3A_469 = arith.constant 16 : i32
          %add3A_470 = arith.addi %mul3A_294, %add3A_469 : i32
          %swap3A_471 = arith.index_cast %add3A_470 : i32 to index
          %swap3A_472 = tpu.vector_load %arg7[%swap3A_471] {strides = array<i32>} : memref<2048xi32, #tpu.memory_space<vmem>>, vector<16xi32>,
          tpu.vector_store %arg7[%swap3A_471], %masked_sort3A_443 {strides = array<i32>} : memref<2048xi32, #tpu.memory_space<vmem>>, vector<16xi32>,
          %add3A_473 = arith.constant 32 : i32
          %add3A_474 = arith.addi %mul3A_294, %add3A_473 : i32
          %swap3A_475 = arith.index_cast %add3A_474 : i32 to index
          %swap3A_476 = tpu.vector_load %arg6[%swap3A_475] {strides = array<i32>} : memref<2048xf32, #tpu.memory_space<vmem>>, vector<16xf32>,
          tpu.vector_store %arg6[%swap3A_475], %masked_sort3A_451 {strides = array<i32>} : memref<2048xf32, #tpu.memory_space<vmem>>, vector<16xf32>,
          %add3A_477 = arith.constant 32 : i32
          %add3A_478 = arith.addi %mul3A_294, %add3A_477 : i32
          %swap3A_479 = arith.index_cast %add3A_478 : i32 to index
          %swap3A_480 = tpu.vector_load %arg7[%swap3A_479] {strides = array<i32>} : memref<2048xi32, #tpu.memory_space<vmem>>, vector<16xi32>,
          tpu.vector_store %arg7[%swap3A_479], %masked_sort3A_452 {strides = array<i32>} : memref<2048xi32, #tpu.memory_space<vmem>>, vector<16xi32>,
          %add3A_481 = arith.constant 48 : i32
          %add3A_482 = arith.addi %mul3A_294, %add3A_481 : i32
          %swap3A_483 = arith.index_cast %add3A_482 : i32 to index
          %swap3A_484 = tpu.vector_load %arg6[%swap3A_483] {strides = array<i32>} : memref<2048xf32, #tpu.memory_space<vmem>>, vector<16xf32>,
          tpu.vector_store %arg6[%swap3A_483], %masked_sort3A_455 {strides = array<i32>} : memref<2048xf32, #tpu.memory_space<vmem>>, vector<16xf32>,
          %add3A_485 = arith.constant 48 : i32
          %add3A_486 = arith.addi %mul3A_294, %add3A_485 : i32
          %swap3A_487 = arith.index_cast %add3A_486 : i32 to index
          %swap3A_488 = tpu.vector_load %arg7[%swap3A_487] {strides = array<i32>} : memref<2048xi32, #tpu.memory_space<vmem>>, vector<16xi32>,
          tpu.vector_store %arg7[%swap3A_487], %masked_sort3A_456 {strides = array<i32>} : memref<2048xi32, #tpu.memory_space<vmem>>, vector<16xi32>,
          %scan3A_489 = arith.constant 0 : i32
          scf.yield %scan3A_489 : i32
        }
        %scan3A_51 = arith.constant 8 : i32
        %scan3A_52 = arith.constant 0 : i32
        %scan3A_53 = arith.constant 0 : i32
        %scan3A_54 = arith.constant 4 : i32
        %scan3A_55 = arith.addi %scan3A_53, %scan3A_54 : i32
        %scan3A_56 = arith.constant 1 : i32
        %scan3A_57 = scf.for %scan3A_291 = %scan3A_53 to %scan3A_55 step %scan3A_56 iter_args(%scan3A_292 = %scan3A_52) -> (i32)  : i32 {
          %mul3A_293 = arith.constant 512 : i32
          %mul3A_294 = arith.muli %scan3A_291, %mul3A_293 : i32
          %add3A_295 = arith.constant 256 : i32
          %add3A_296 = arith.addi %mul3A_294, %add3A_295 : i32
          %add3A_297 = arith.constant 0 : i32
          %add3A_298 = arith.addi %mul3A_294, %add3A_297 : i32
          %get3A_299 = arith.index_cast %add3A_298 : i32 to index
          %get3A_300 = tpu.vector_load %arg6[%get3A_299] {strides = array<i32>} : memref<2048xf32, #tpu.memory_space<vmem>>, vector<16xf32>,
          %add3A_301 = arith.constant 16 : i32
          %add3A_302 = arith.addi %mul3A_294, %add3A_301 : i32
          %get3A_303 = arith.index_cast %add3A_302 : i32 to index
          %get3A_304 = tpu.vector_load %arg6[%get3A_303] {strides = array<i32>} : memref<2048xf32, #tpu.memory_space<vmem>>, vector<16xf32>,
          %add3A_305 = arith.constant 32 : i32
          %add3A_306 = arith.addi %mul3A_294, %add3A_305 : i32
          %get3A_307 = arith.index_cast %add3A_306 : i32 to index
          %get3A_308 = tpu.vector_load %arg6[%get3A_307] {strides = array<i32>} : memref<2048xf32, #tpu.memory_space<vmem>>, vector<16xf32>,
          %add3A_309 = arith.constant 48 : i32
          %add3A_310 = arith.addi %mul3A_294, %add3A_309 : i32
          %get3A_311 = arith.index_cast %add3A_310 : i32 to index
          %get3A_312 = tpu.vector_load %arg6[%get3A_311] {strides = array<i32>} : memref<2048xf32, #tpu.memory_space<vmem>>, vector<16xf32>,
          %add3A_313 = arith.constant 0 : i32
          %add3A_314 = arith.addi %mul3A_294, %add3A_313 : i32
          %get3A_315 = arith.index_cast %add3A_314 : i32 to index
          %get3A_316 = tpu.vector_load %arg7[%get3A_315] {strides = array<i32>} : memref<2048xi32, #tpu.memory_space<vmem>>, vector<16xi32>,
          %add3A_317 = arith.constant 16 : i32
          %add3A_318 = arith.addi %mul3A_294, %add3A_317 : i32
          %get3A_319 = arith.index_cast %add3A_318 : i32 to index
          %get3A_320 = tpu.vector_load %arg7[%get3A_319] {strides = array<i32>} : memref<2048xi32, #tpu.memory_space<vmem>>, vector<16xi32>,
          %add3A_321 = arith.constant 32 : i32
          %add3A_322 = arith.addi %mul3A_294, %add3A_321 : i32
          %get3A_323 = arith.index_cast %add3A_322 : i32 to index
          %get3A_324 = tpu.vector_load %arg7[%get3A_323] {strides = array<i32>} : memref<2048xi32, #tpu.memory_space<vmem>>, vector<16xi32>,
          %add3A_325 = arith.constant 48 : i32
          %add3A_326 = arith.addi %mul3A_294, %add3A_325 : i32
          %get3A_327 = arith.index_cast %add3A_326 : i32 to index
          %get3A_328 = tpu.vector_load %arg7[%get3A_327] {strides = array<i32>} : memref<2048xi32, #tpu.memory_space<vmem>>, vector<16xi32>,
          %add3A_329 = arith.constant 0 : i32
          %add3A_330 = arith.addi %add3A_296, %add3A_329 : i32
          %get3A_331 = arith.index_cast %add3A_330 : i32 to index
          %get3A_332 = tpu.vector_load %arg6[%get3A_331] {strides = array<i32>} : memref<2048xf32, #tpu.memory_space<vmem>>, vector<16xf32>,
          %add3A_333 = arith.constant 16 : i32
          %add3A_334 = arith.addi %add3A_296, %add3A_333 : i32
          %get3A_335 = arith.index_cast %add3A_334 : i32 to index
          %get3A_336 = tpu.vector_load %arg6[%get3A_335] {strides = array<i32>} : memref<2048xf32, #tpu.memory_space<vmem>>, vector<16xf32>,
          %add3A_337 = arith.constant 32 : i32
          %add3A_338 = arith.addi %add3A_296, %add3A_337 : i32
          %get3A_339 = arith.index_cast %add3A_338 : i32 to index
          %get3A_340 = tpu.vector_load %arg6[%get3A_339] {strides = array<i32>} : memref<2048xf32, #tpu.memory_space<vmem>>, vector<16xf32>,
          %add3A_341 = arith.constant 48 : i32
          %add3A_342 = arith.addi %add3A_296, %add3A_341 : i32
          %get3A_343 = arith.index_cast %add3A_342 : i32 to index
          %get3A_344 = tpu.vector_load %arg6[%get3A_343] {strides = array<i32>} : memref<2048xf32, #tpu.memory_space<vmem>>, vector<16xf32>,
          %add3A_345 = arith.constant 0 : i32
          %add3A_346 = arith.addi %add3A_296, %add3A_345 : i32
          %get3A_347 = arith.index_cast %add3A_346 : i32 to index
          %get3A_348 = tpu.vector_load %arg7[%get3A_347] {strides = array<i32>} : memref<2048xi32, #tpu.memory_space<vmem>>, vector<16xi32>,
          %add3A_349 = arith.constant 16 : i32
          %add3A_350 = arith.addi %add3A_296, %add3A_349 : i32
          %get3A_351 = arith.index_cast %add3A_350 : i32 to index
          %get3A_352 = tpu.vector_load %arg7[%get3A_351] {strides = array<i32>} : memref<2048xi32, #tpu.memory_space<vmem>>, vector<16xi32>,
          %add3A_353 = arith.constant 32 : i32
          %add3A_354 = arith.addi %add3A_296, %add3A_353 : i32
          %get3A_355 = arith.index_cast %add3A_354 : i32 to index
          %get3A_356 = tpu.vector_load %arg7[%get3A_355] {strides = array<i32>} : memref<2048xi32, #tpu.memory_space<vmem>>, vector<16xi32>,
          %add3A_357 = arith.constant 48 : i32
          %add3A_358 = arith.addi %add3A_296, %add3A_357 : i32
          %get3A_359 = arith.index_cast %add3A_358 : i32 to index
          %get3A_360 = tpu.vector_load %arg7[%get3A_359] {strides = array<i32>} : memref<2048xi32, #tpu.memory_space<vmem>>, vector<16xi32>,
          %rev3A_361 = arith.constant 15 : i32
          %rev3A_362 = vector.broadcast %rev3A_361 : i32 to vector<16xi32>
          %rev3A_363 = tpu.iota {dimensions = array<i32: 0>} : vector<16xi32>
          %rev3A_364 = arith.subi %rev3A_362, %rev3A_363 : vector<16xi32>
          %rev3A_365 = tpu.dynamic_gather %get3A_344[%rev3A_364] in [0] : vector<16xf32>, vector<16xi32> -> vector<16xf32>
          %rev3A_366 = arith.constant 15 : i32
          %rev3A_367 = vector.broadcast %rev3A_366 : i32 to vector<16xi32>
          %rev3A_368 = tpu.iota {dimensions = array<i32: 0>} : vector<16xi32>
          %rev3A_369 = arith.subi %rev3A_367, %rev3A_368 : vector<16xi32>
          %rev3A_370 = tpu.dynamic_gather %get3A_340[%rev3A_369] in [0] : vector<16xf32>, vector<16xi32> -> vector<16xf32>
          %rev3A_371 = arith.constant 15 : i32
          %rev3A_372 = vector.broadcast %rev3A_371 : i32 to vector<16xi32>
          %rev3A_373 = tpu.iota {dimensions = array<i32: 0>} : vector<16xi32>
          %rev3A_374 = arith.subi %rev3A_372, %rev3A_373 : vector<16xi32>
          %rev3A_375 = tpu.dynamic_gather %get3A_336[%rev3A_374] in [0] : vector<16xf32>, vector<16xi32> -> vector<16xf32>
          %rev3A_376 = arith.constant 15 : i32
          %rev3A_377 = vector.broadcast %rev3A_376 : i32 to vector<16xi32>
          %rev3A_378 = tpu.iota {dimensions = array<i32: 0>} : vector<16xi32>
          %rev3A_379 = arith.subi %rev3A_377, %rev3A_378 : vector<16xi32>
          %rev3A_380 = tpu.dynamic_gather %get3A_332[%rev3A_379] in [0] : vector<16xf32>, vector<16xi32> -> vector<16xf32>
          %rev3A_381 = arith.constant 15 : i32
          %rev3A_382 = vector.broadcast %rev3A_381 : i32 to vector<16xi32>
          %rev3A_383 = tpu.iota {dimensions = array<i32: 0>} : vector<16xi32>
          %rev3A_384 = arith.subi %rev3A_382, %rev3A_383 : vector<16xi32>
          %rev3A_385 = tpu.dynamic_gather %get3A_360[%rev3A_384] in [0] : vector<16xi32>, vector<16xi32> -> vector<16xi32>
          %rev3A_386 = arith.constant 15 : i32
          %rev3A_387 = vector.broadcast %rev3A_386 : i32 to vector<16xi32>
          %rev3A_388 = tpu.iota {dimensions = array<i32: 0>} : vector<16xi32>
          %rev3A_389 = arith.subi %rev3A_387, %rev3A_388 : vector<16xi32>
          %rev3A_390 = tpu.dynamic_gather %get3A_356[%rev3A_389] in [0] : vector<16xi32>, vector<16xi32> -> vector<16xi32>
          %rev3A_391 = arith.constant 15 : i32
          %rev3A_392 = vector.broadcast %rev3A_391 : i32 to vector<16xi32>
          %rev3A_393 = tpu.iota {dimensions = array<i32: 0>} : vector<16xi32>
          %rev3A_394 = arith.subi %rev3A_392, %rev3A_393 : vector<16xi32>
          %rev3A_395 = tpu.dynamic_gather %get3A_352[%rev3A_394] in [0] : vector<16xi32>, vector<16xi32> -> vector<16xi32>
          %rev3A_396 = arith.constant 15 : i32
          %rev3A_397 = vector.broadcast %rev3A_396 : i32 to vector<16xi32>
          %rev3A_398 = tpu.iota {dimensions = array<i32: 0>} : vector<16xi32>
          %rev3A_399 = arith.subi %rev3A_397, %rev3A_398 : vector<16xi32>
          %rev3A_400 = tpu.dynamic_gather %get3A_348[%rev3A_399] in [0] : vector<16xi32>, vector<16xi32> -> vector<16xi32>
          %lt3A_401 = arith.cmpf olt, %rev3A_365, %get3A_300 : vector<16xf32>
          %select_n3A_402 = arith.select %lt3A_401, %rev3A_365, %get3A_300 : vector<16xi1>, vector<16xf32>
          %select_n3A_403 = arith.select %lt3A_401, %get3A_300, %rev3A_365 : vector<16xi1>, vector<16xf32>
          %select_n3A_404 = arith.select %lt3A_401, %rev3A_385, %get3A_316 : vector<16xi1>, vector<16xi32>
          %select_n3A_405 = arith.select %lt3A_401, %get3A_316, %rev3A_385 : vector<16xi1>, vector<16xi32>
          %lt3A_406 = arith.cmpf olt, %rev3A_370, %get3A_304 : vector<16xf32>
          %select_n3A_407 = arith.select %lt3A_406, %rev3A_370, %get3A_304 : vector<16xi1>, vector<16xf32>
          %select_n3A_408 = arith.select %lt3A_406, %get3A_304, %rev3A_370 : vector<16xi1>, vector<16xf32>
          %select_n3A_409 = arith.select %lt3A_406, %rev3A_390, %get3A_320 : vector<16xi1>, vector<16xi32>
          %select_n3A_410 = arith.select %lt3A_406, %get3A_320, %rev3A_390 : vector<16xi1>, vector<16xi32>
          %lt3A_411 = arith.cmpf olt, %rev3A_375, %get3A_308 : vector<16xf32>
          %select_n3A_412 = arith.select %lt3A_411, %rev3A_375, %get3A_308 : vector<16xi1>, vector<16xf32>
          %select_n3A_413 = arith.select %lt3A_411, %get3A_308, %rev3A_375 : vector<16xi1>, vector<16xf32>
          %select_n3A_414 = arith.select %lt3A_411, %rev3A_395, %get3A_324 : vector<16xi1>, vector<16xi32>
          %select_n3A_415 = arith.select %lt3A_411, %get3A_324, %rev3A_395 : vector<16xi1>, vector<16xi32>
          %lt3A_416 = arith.cmpf olt, %rev3A_380, %get3A_312 : vector<16xf32>
          %select_n3A_417 = arith.select %lt3A_416, %rev3A_380, %get3A_312 : vector<16xi1>, vector<16xf32>
          %select_n3A_418 = arith.select %lt3A_416, %get3A_312, %rev3A_380 : vector<16xi1>, vector<16xf32>
          %select_n3A_419 = arith.select %lt3A_416, %rev3A_400, %get3A_328 : vector<16xi1>, vector<16xi32>
          %select_n3A_420 = arith.select %lt3A_416, %get3A_328, %rev3A_400 : vector<16xi1>, vector<16xi32>
          %lt3A_421 = arith.cmpf olt, %select_n3A_412, %select_n3A_402 : vector<16xf32>
          %select_n3A_422 = arith.select %lt3A_421, %select_n3A_412, %select_n3A_402 : vector<16xi1>, vector<16xf32>
          %select_n3A_423 = arith.select %lt3A_421, %select_n3A_402, %select_n3A_412 : vector<16xi1>, vector<16xf32>
          %select_n3A_424 = arith.select %lt3A_421, %select_n3A_414, %select_n3A_404 : vector<16xi1>, vector<16xi32>
          %select_n3A_425 = arith.select %lt3A_421, %select_n3A_404, %select_n3A_414 : vector<16xi1>, vector<16xi32>
          %lt3A_426 = arith.cmpf olt, %select_n3A_417, %select_n3A_407 : vector<16xf32>
          %select_n3A_427 = arith.select %lt3A_426, %select_n3A_417, %select_n3A_407 : vector<16xi1>, vector<16xf32>
          %select_n3A_428 = arith.select %lt3A_426, %select_n3A_407, %select_n3A_417 : vector<16xi1>, vector<16xf32>
          %select_n3A_429 = arith.select %lt3A_426, %select_n3A_419, %select_n3A_409 : vector<16xi1>, vector<16xi32>
          %select_n3A_430 = arith.select %lt3A_426, %select_n3A_409, %select_n3A_419 : vector<16xi1>, vector<16xi32>
          %lt3A_431 = arith.cmpf olt, %select_n3A_427, %select_n3A_422 : vector<16xf32>
          %select_n3A_432 = arith.select %lt3A_431, %select_n3A_427, %select_n3A_422 : vector<16xi1>, vector<16xf32>
          %select_n3A_433 = arith.select %lt3A_431, %select_n3A_422, %select_n3A_427 : vector<16xi1>, vector<16xf32>
          %select_n3A_434 = arith.select %lt3A_431, %select_n3A_429, %select_n3A_424 : vector<16xi1>, vector<16xi32>
          %select_n3A_435 = arith.select %lt3A_431, %select_n3A_424, %select_n3A_429 : vector<16xi1>, vector<16xi32>
          %masked_sort3A_436 = arith.constant dense<true> : vector<16xi1>
          %masked_sort3A_437, %masked_sort3A_438, %masked_sort3A_439 = tpu.sort %select_n3A_432, %select_n3A_434 masked %masked_sort3A_436 : (vector<16xf32>, vector<16xi32>, vector<16xi1>) -> (vector<16xi1>, vector<16xf32>, vector<16xi32>)
          %masked_sort3A_440 = arith.constant dense<true> : vector<16xi1>
          %masked_sort3A_441, %masked_sort3A_442, %masked_sort3A_443 = tpu.sort %select_n3A_433, %select_n3A_435 masked %masked_sort3A_440 : (vector<16xf32>, vector<16xi32>, vector<16xi1>) -> (vector<16xi1>, vector<16xf32>, vector<16xi32>)
          %lt3A_444 = arith.cmpf olt, %select_n3A_428, %select_n3A_423 : vector<16xf32>
          %select_n3A_445 = arith.select %lt3A_444, %select_n3A_428, %select_n3A_423 : vector<16xi1>, vector<16xf32>
          %select_n3A_446 = arith.select %lt3A_444, %select_n3A_423, %select_n3A_428 : vector<16xi1>, vector<16xf32>
          %select_n3A_447 = arith.select %lt3A_444, %select_n3A_430, %select_n3A_425 : vector<16xi1>, vector<16xi32>
          %select_n3A_448 = arith.select %lt3A_444, %select_n3A_425, %select_n3A_430 : vector<16xi1>, vector<16xi32>
          %masked_sort3A_449 = arith.constant dense<true> : vector<16xi1>
          %masked_sort3A_450, %masked_sort3A_451, %masked_sort3A_452 = tpu.sort %select_n3A_445, %select_n3A_447 masked %masked_sort3A_449 : (vector<16xf32>, vector<16xi32>, vector<16xi1>) -> (vector<16xi1>, vector<16xf32>, vector<16xi32>)
          %masked_sort3A_453 = arith.constant dense<true> : vector<16xi1>
          %masked_sort3A_454, %masked_sort3A_455, %masked_sort3A_456 = tpu.sort %select_n3A_446, %select_n3A_448 masked %masked_sort3A_453 : (vector<16xf32>, vector<16xi32>, vector<16xi1>) -> (vector<16xi1>, vector<16xf32>, vector<16xi32>)
          %add3A_457 = arith.constant 0 : i32
          %add3A_458 = arith.addi %mul3A_294, %add3A_457 : i32
          %swap3A_459 = arith.index_cast %add3A_458 : i32 to index
          %swap3A_460 = tpu.vector_load %arg6[%swap3A_459] {strides = array<i32>} : memref<2048xf32, #tpu.memory_space<vmem>>, vector<16xf32>,
          tpu.vector_store %arg6[%swap3A_459], %masked_sort3A_438 {strides = array<i32>} : memref<2048xf32, #tpu.memory_space<vmem>>, vector<16xf32>,
          %add3A_461 = arith.constant 0 : i32
          %add3A_462 = arith.addi %mul3A_294, %add3A_461 : i32
          %swap3A_463 = arith.index_cast %add3A_462 : i32 to index
          %swap3A_464 = tpu.vector_load %arg7[%swap3A_463] {strides = array<i32>} : memref<2048xi32, #tpu.memory_space<vmem>>, vector<16xi32>,
          tpu.vector_store %arg7[%swap3A_463], %masked_sort3A_439 {strides = array<i32>} : memref<2048xi32, #tpu.memory_space<vmem>>, vector<16xi32>,
          %add3A_465 = arith.constant 16 : i32
          %add3A_466 = arith.addi %mul3A_294, %add3A_465 : i32
          %swap3A_467 = arith.index_cast %add3A_466 : i32 to index
          %swap3A_468 = tpu.vector_load %arg6[%swap3A_467] {strides = array<i32>} : memref<2048xf32, #tpu.memory_space<vmem>>, vector<16xf32>,
          tpu.vector_store %arg6[%swap3A_467], %masked_sort3A_442 {strides = array<i32>} : memref<2048xf32, #tpu.memory_space<vmem>>, vector<16xf32>,
          %add3A_469 = arith.constant 16 : i32
          %add3A_470 = arith.addi %mul3A_294, %add3A_469 : i32
          %swap3A_471 = arith.index_cast %add3A_470 : i32 to index
          %swap3A_472 = tpu.vector_load %arg7[%swap3A_471] {strides = array<i32>} : memref<2048xi32, #tpu.memory_space<vmem>>, vector<16xi32>,
          tpu.vector_store %arg7[%swap3A_471], %masked_sort3A_443 {strides = array<i32>} : memref<2048xi32, #tpu.memory_space<vmem>>, vector<16xi32>,
          %add3A_473 = arith.constant 32 : i32
          %add3A_474 = arith.addi %mul3A_294, %add3A_473 : i32
          %swap3A_475 = arith.index_cast %add3A_474 : i32 to index
          %swap3A_476 = tpu.vector_load %arg6[%swap3A_475] {strides = array<i32>} : memref<2048xf32, #tpu.memory_space<vmem>>, vector<16xf32>,
          tpu.vector_store %arg6[%swap3A_475], %masked_sort3A_451 {strides = array<i32>} : memref<2048xf32, #tpu.memory_space<vmem>>, vector<16xf32>,
          %add3A_477 = arith.constant 32 : i32
          %add3A_478 = arith.addi %mul3A_294, %add3A_477 : i32
          %swap3A_479 = arith.index_cast %add3A_478 : i32 to index
          %swap3A_480 = tpu.vector_load %arg7[%swap3A_479] {strides = array<i32>} : memref<2048xi32, #tpu.memory_space<vmem>>, vector<16xi32>,
          tpu.vector_store %arg7[%swap3A_479], %masked_sort3A_452 {strides = array<i32>} : memref<2048xi32, #tpu.memory_space<vmem>>, vector<16xi32>,
          %add3A_481 = arith.constant 48 : i32
          %add3A_482 = arith.addi %mul3A_294, %add3A_481 : i32
          %swap3A_483 = arith.index_cast %add3A_482 : i32 to index
          %swap3A_484 = tpu.vector_load %arg6[%swap3A_483] {strides = array<i32>} : memref<2048xf32, #tpu.memory_space<vmem>>, vector<16xf32>,
          tpu.vector_store %arg6[%swap3A_483], %masked_sort3A_455 {strides = array<i32>} : memref<2048xf32, #tpu.memory_space<vmem>>, vector<16xf32>,
          %add3A_485 = arith.constant 48 : i32
          %add3A_486 = arith.addi %mul3A_294, %add3A_485 : i32
          %swap3A_487 = arith.index_cast %add3A_486 : i32 to index
          %swap3A_488 = tpu.vector_load %arg7[%swap3A_487] {strides = array<i32>} : memref<2048xi32, #tpu.memory_space<vmem>>, vector<16xi32>,
          tpu.vector_store %arg7[%swap3A_487], %masked_sort3A_456 {strides = array<i32>} : memref<2048xi32, #tpu.memory_space<vmem>>, vector<16xi32>,
          %scan3A_489 = arith.constant 0 : i32
          scf.yield %scan3A_489 : i32
        }
        %scan3A_58 = arith.constant 4 : i32
        %scan3A_59 = arith.constant 0 : i32
        %scan3A_60 = arith.constant 0 : i32
        %scan3A_61 = arith.constant 2 : i32
        %scan3A_62 = arith.addi %scan3A_60, %scan3A_61 : i32
        %scan3A_63 = arith.constant 1 : i32
        %scan3A_64 = scf.for %scan3A_291 = %scan3A_60 to %scan3A_62 step %scan3A_63 iter_args(%scan3A_292 = %scan3A_59) -> (i32)  : i32 {
          %mul3A_293 = arith.constant 1024 : i32
          %mul3A_294 = arith.muli %scan3A_291, %mul3A_293 : i32
          %add3A_295 = arith.constant 512 : i32
          %add3A_296 = arith.addi %mul3A_294, %add3A_295 : i32
          %add3A_297 = arith.constant 0 : i32
          %add3A_298 = arith.addi %mul3A_294, %add3A_297 : i32
          %get3A_299 = arith.index_cast %add3A_298 : i32 to index
          %get3A_300 = tpu.vector_load %arg6[%get3A_299] {strides = array<i32>} : memref<2048xf32, #tpu.memory_space<vmem>>, vector<16xf32>,
          %add3A_301 = arith.constant 16 : i32
          %add3A_302 = arith.addi %mul3A_294, %add3A_301 : i32
          %get3A_303 = arith.index_cast %add3A_302 : i32 to index
          %get3A_304 = tpu.vector_load %arg6[%get3A_303] {strides = array<i32>} : memref<2048xf32, #tpu.memory_space<vmem>>, vector<16xf32>,
          %add3A_305 = arith.constant 32 : i32
          %add3A_306 = arith.addi %mul3A_294, %add3A_305 : i32
          %get3A_307 = arith.index_cast %add3A_306 : i32 to index
          %get3A_308 = tpu.vector_load %arg6[%get3A_307] {strides = array<i32>} : memref<2048xf32, #tpu.memory_space<vmem>>, vector<16xf32>,
          %add3A_309 = arith.constant 48 : i32
          %add3A_310 = arith.addi %mul3A_294, %add3A_309 : i32
          %get3A_311 = arith.index_cast %add3A_310 : i32 to index
          %get3A_312 = tpu.vector_load %arg6[%get3A_311] {strides = array<i32>} : memref<2048xf32, #tpu.memory_space<vmem>>, vector<16xf32>,
          %add3A_313 = arith.constant 0 : i32
          %add3A_314 = arith.addi %mul3A_294, %add3A_313 : i32
          %get3A_315 = arith.index_cast %add3A_314 : i32 to index
          %get3A_316 = tpu.vector_load %arg7[%get3A_315] {strides = array<i32>} : memref<2048xi32, #tpu.memory_space<vmem>>, vector<16xi32>,
          %add3A_317 = arith.constant 16 : i32
          %add3A_318 = arith.addi %mul3A_294, %add3A_317 : i32
          %get3A_319 = arith.index_cast %add3A_318 : i32 to index
          %get3A_320 = tpu.vector_load %arg7[%get3A_319] {strides = array<i32>} : memref<2048xi32, #tpu.memory_space<vmem>>, vector<16xi32>,
          %add3A_321 = arith.constant 32 : i32
          %add3A_322 = arith.addi %mul3A_294, %add3A_321 : i32
          %get3A_323 = arith.index_cast %add3A_322 : i32 to index
          %get3A_324 = tpu.vector_load %arg7[%get3A_323] {strides = array<i32>} : memref<2048xi32, #tpu.memory_space<vmem>>, vector<16xi32>,
          %add3A_325 = arith.constant 48 : i32
          %add3A_326 = arith.addi %mul3A_294, %add3A_325 : i32
          %get3A_327 = arith.index_cast %add3A_326 : i32 to index
          %get3A_328 = tpu.vector_load %arg7[%get3A_327] {strides = array<i32>} : memref<2048xi32, #tpu.memory_space<vmem>>, vector<16xi32>,
          %add3A_329 = arith.constant 0 : i32
          %add3A_330 = arith.addi %add3A_296, %add3A_329 : i32
          %get3A_331 = arith.index_cast %add3A_330 : i32 to index
          %get3A_332 = tpu.vector_load %arg6[%get3A_331] {strides = array<i32>} : memref<2048xf32, #tpu.memory_space<vmem>>, vector<16xf32>,
          %add3A_333 = arith.constant 16 : i32
          %add3A_334 = arith.addi %add3A_296, %add3A_333 : i32
          %get3A_335 = arith.index_cast %add3A_334 : i32 to index
          %get3A_336 = tpu.vector_load %arg6[%get3A_335] {strides = array<i32>} : memref<2048xf32, #tpu.memory_space<vmem>>, vector<16xf32>,
          %add3A_337 = arith.constant 32 : i32
          %add3A_338 = arith.addi %add3A_296, %add3A_337 : i32
          %get3A_339 = arith.index_cast %add3A_338 : i32 to index
          %get3A_340 = tpu.vector_load %arg6[%get3A_339] {strides = array<i32>} : memref<2048xf32, #tpu.memory_space<vmem>>, vector<16xf32>,
          %add3A_341 = arith.constant 48 : i32
          %add3A_342 = arith.addi %add3A_296, %add3A_341 : i32
          %get3A_343 = arith.index_cast %add3A_342 : i32 to index
          %get3A_344 = tpu.vector_load %arg6[%get3A_343] {strides = array<i32>} : memref<2048xf32, #tpu.memory_space<vmem>>, vector<16xf32>,
          %add3A_345 = arith.constant 0 : i32
          %add3A_346 = arith.addi %add3A_296, %add3A_345 : i32
          %get3A_347 = arith.index_cast %add3A_346 : i32 to index
          %get3A_348 = tpu.vector_load %arg7[%get3A_347] {strides = array<i32>} : memref<2048xi32, #tpu.memory_space<vmem>>, vector<16xi32>,
          %add3A_349 = arith.constant 16 : i32
          %add3A_350 = arith.addi %add3A_296, %add3A_349 : i32
          %get3A_351 = arith.index_cast %add3A_350 : i32 to index
          %get3A_352 = tpu.vector_load %arg7[%get3A_351] {strides = array<i32>} : memref<2048xi32, #tpu.memory_space<vmem>>, vector<16xi32>,
          %add3A_353 = arith.constant 32 : i32
          %add3A_354 = arith.addi %add3A_296, %add3A_353 : i32
          %get3A_355 = arith.index_cast %add3A_354 : i32 to index
          %get3A_356 = tpu.vector_load %arg7[%get3A_355] {strides = array<i32>} : memref<2048xi32, #tpu.memory_space<vmem>>, vector<16xi32>,
          %add3A_357 = arith.constant 48 : i32
          %add3A_358 = arith.addi %add3A_296, %add3A_357 : i32
          %get3A_359 = arith.index_cast %add3A_358 : i32 to index
          %get3A_360 = tpu.vector_load %arg7[%get3A_359] {strides = array<i32>} : memref<2048xi32, #tpu.memory_space<vmem>>, vector<16xi32>,
          %rev3A_361 = arith.constant 15 : i32
          %rev3A_362 = vector.broadcast %rev3A_361 : i32 to vector<16xi32>
          %rev3A_363 = tpu.iota {dimensions = array<i32: 0>} : vector<16xi32>
          %rev3A_364 = arith.subi %rev3A_362, %rev3A_363 : vector<16xi32>
          %rev3A_365 = tpu.dynamic_gather %get3A_344[%rev3A_364] in [0] : vector<16xf32>, vector<16xi32> -> vector<16xf32>
          %rev3A_366 = arith.constant 15 : i32
          %rev3A_367 = vector.broadcast %rev3A_366 : i32 to vector<16xi32>
          %rev3A_368 = tpu.iota {dimensions = array<i32: 0>} : vector<16xi32>
          %rev3A_369 = arith.subi %rev3A_367, %rev3A_368 : vector<16xi32>
          %rev3A_370 = tpu.dynamic_gather %get3A_340[%rev3A_369] in [0] : vector<16xf32>, vector<16xi32> -> vector<16xf32>
          %rev3A_371 = arith.constant 15 : i32
          %rev3A_372 = vector.broadcast %rev3A_371 : i32 to vector<16xi32>
          %rev3A_373 = tpu.iota {dimensions = array<i32: 0>} : vector<16xi32>
          %rev3A_374 = arith.subi %rev3A_372, %rev3A_373 : vector<16xi32>
          %rev3A_375 = tpu.dynamic_gather %get3A_336[%rev3A_374] in [0] : vector<16xf32>, vector<16xi32> -> vector<16xf32>
          %rev3A_376 = arith.constant 15 : i32
          %rev3A_377 = vector.broadcast %rev3A_376 : i32 to vector<16xi32>
          %rev3A_378 = tpu.iota {dimensions = array<i32: 0>} : vector<16xi32>
          %rev3A_379 = arith.subi %rev3A_377, %rev3A_378 : vector<16xi32>
          %rev3A_380 = tpu.dynamic_gather %get3A_332[%rev3A_379] in [0] : vector<16xf32>, vector<16xi32> -> vector<16xf32>
          %rev3A_381 = arith.constant 15 : i32
          %rev3A_382 = vector.broadcast %rev3A_381 : i32 to vector<16xi32>
          %rev3A_383 = tpu.iota {dimensions = array<i32: 0>} : vector<16xi32>
          %rev3A_384 = arith.subi %rev3A_382, %rev3A_383 : vector<16xi32>
          %rev3A_385 = tpu.dynamic_gather %get3A_360[%rev3A_384] in [0] : vector<16xi32>, vector<16xi32> -> vector<16xi32>
          %rev3A_386 = arith.constant 15 : i32
          %rev3A_387 = vector.broadcast %rev3A_386 : i32 to vector<16xi32>
          %rev3A_388 = tpu.iota {dimensions = array<i32: 0>} : vector<16xi32>
          %rev3A_389 = arith.subi %rev3A_387, %rev3A_388 : vector<16xi32>
          %rev3A_390 = tpu.dynamic_gather %get3A_356[%rev3A_389] in [0] : vector<16xi32>, vector<16xi32> -> vector<16xi32>
          %rev3A_391 = arith.constant 15 : i32
          %rev3A_392 = vector.broadcast %rev3A_391 : i32 to vector<16xi32>
          %rev3A_393 = tpu.iota {dimensions = array<i32: 0>} : vector<16xi32>
          %rev3A_394 = arith.subi %rev3A_392, %rev3A_393 : vector<16xi32>
          %rev3A_395 = tpu.dynamic_gather %get3A_352[%rev3A_394] in [0] : vector<16xi32>, vector<16xi32> -> vector<16xi32>
          %rev3A_396 = arith.constant 15 : i32
          %rev3A_397 = vector.broadcast %rev3A_396 : i32 to vector<16xi32>
          %rev3A_398 = tpu.iota {dimensions = array<i32: 0>} : vector<16xi32>
          %rev3A_399 = arith.subi %rev3A_397, %rev3A_398 : vector<16xi32>
          %rev3A_400 = tpu.dynamic_gather %get3A_348[%rev3A_399] in [0] : vector<16xi32>, vector<16xi32> -> vector<16xi32>
          %lt3A_401 = arith.cmpf olt, %rev3A_365, %get3A_300 : vector<16xf32>
          %select_n3A_402 = arith.select %lt3A_401, %rev3A_365, %get3A_300 : vector<16xi1>, vector<16xf32>
          %select_n3A_403 = arith.select %lt3A_401, %get3A_300, %rev3A_365 : vector<16xi1>, vector<16xf32>
          %select_n3A_404 = arith.select %lt3A_401, %rev3A_385, %get3A_316 : vector<16xi1>, vector<16xi32>
          %select_n3A_405 = arith.select %lt3A_401, %get3A_316, %rev3A_385 : vector<16xi1>, vector<16xi32>
          %lt3A_406 = arith.cmpf olt, %rev3A_370, %get3A_304 : vector<16xf32>
          %select_n3A_407 = arith.select %lt3A_406, %rev3A_370, %get3A_304 : vector<16xi1>, vector<16xf32>
          %select_n3A_408 = arith.select %lt3A_406, %get3A_304, %rev3A_370 : vector<16xi1>, vector<16xf32>
          %select_n3A_409 = arith.select %lt3A_406, %rev3A_390, %get3A_320 : vector<16xi1>, vector<16xi32>
          %select_n3A_410 = arith.select %lt3A_406, %get3A_320, %rev3A_390 : vector<16xi1>, vector<16xi32>
          %lt3A_411 = arith.cmpf olt, %rev3A_375, %get3A_308 : vector<16xf32>
          %select_n3A_412 = arith.select %lt3A_411, %rev3A_375, %get3A_308 : vector<16xi1>, vector<16xf32>
          %select_n3A_413 = arith.select %lt3A_411, %get3A_308, %rev3A_375 : vector<16xi1>, vector<16xf32>
          %select_n3A_414 = arith.select %lt3A_411, %rev3A_395, %get3A_324 : vector<16xi1>, vector<16xi32>
          %select_n3A_415 = arith.select %lt3A_411, %get3A_324, %rev3A_395 : vector<16xi1>, vector<16xi32>
          %lt3A_416 = arith.cmpf olt, %rev3A_380, %get3A_312 : vector<16xf32>
          %select_n3A_417 = arith.select %lt3A_416, %rev3A_380, %get3A_312 : vector<16xi1>, vector<16xf32>
          %select_n3A_418 = arith.select %lt3A_416, %get3A_312, %rev3A_380 : vector<16xi1>, vector<16xf32>
          %select_n3A_419 = arith.select %lt3A_416, %rev3A_400, %get3A_328 : vector<16xi1>, vector<16xi32>
          %select_n3A_420 = arith.select %lt3A_416, %get3A_328, %rev3A_400 : vector<16xi1>, vector<16xi32>
          %lt3A_421 = arith.cmpf olt, %select_n3A_412, %select_n3A_402 : vector<16xf32>
          %select_n3A_422 = arith.select %lt3A_421, %select_n3A_412, %select_n3A_402 : vector<16xi1>, vector<16xf32>
          %select_n3A_423 = arith.select %lt3A_421, %select_n3A_402, %select_n3A_412 : vector<16xi1>, vector<16xf32>
          %select_n3A_424 = arith.select %lt3A_421, %select_n3A_414, %select_n3A_404 : vector<16xi1>, vector<16xi32>
          %select_n3A_425 = arith.select %lt3A_421, %select_n3A_404, %select_n3A_414 : vector<16xi1>, vector<16xi32>
          %lt3A_426 = arith.cmpf olt, %select_n3A_417, %select_n3A_407 : vector<16xf32>
          %select_n3A_427 = arith.select %lt3A_426, %select_n3A_417, %select_n3A_407 : vector<16xi1>, vector<16xf32>
          %select_n3A_428 = arith.select %lt3A_426, %select_n3A_407, %select_n3A_417 : vector<16xi1>, vector<16xf32>
          %select_n3A_429 = arith.select %lt3A_426, %select_n3A_419, %select_n3A_409 : vector<16xi1>, vector<16xi32>
          %select_n3A_430 = arith.select %lt3A_426, %select_n3A_409, %select_n3A_419 : vector<16xi1>, vector<16xi32>
          %lt3A_431 = arith.cmpf olt, %select_n3A_427, %select_n3A_422 : vector<16xf32>
          %select_n3A_432 = arith.select %lt3A_431, %select_n3A_427, %select_n3A_422 : vector<16xi1>, vector<16xf32>
          %select_n3A_433 = arith.select %lt3A_431, %select_n3A_422, %select_n3A_427 : vector<16xi1>, vector<16xf32>
          %select_n3A_434 = arith.select %lt3A_431, %select_n3A_429, %select_n3A_424 : vector<16xi1>, vector<16xi32>
          %select_n3A_435 = arith.select %lt3A_431, %select_n3A_424, %select_n3A_429 : vector<16xi1>, vector<16xi32>
          %masked_sort3A_436 = arith.constant dense<true> : vector<16xi1>
          %masked_sort3A_437, %masked_sort3A_438, %masked_sort3A_439 = tpu.sort %select_n3A_432, %select_n3A_434 masked %masked_sort3A_436 : (vector<16xf32>, vector<16xi32>, vector<16xi1>) -> (vector<16xi1>, vector<16xf32>, vector<16xi32>)
          %masked_sort3A_440 = arith.constant dense<true> : vector<16xi1>
          %masked_sort3A_441, %masked_sort3A_442, %masked_sort3A_443 = tpu.sort %select_n3A_433, %select_n3A_435 masked %masked_sort3A_440 : (vector<16xf32>, vector<16xi32>, vector<16xi1>) -> (vector<16xi1>, vector<16xf32>, vector<16xi32>)
          %lt3A_444 = arith.cmpf olt, %select_n3A_428, %select_n3A_423 : vector<16xf32>
          %select_n3A_445 = arith.select %lt3A_444, %select_n3A_428, %select_n3A_423 : vector<16xi1>, vector<16xf32>
          %select_n3A_446 = arith.select %lt3A_444, %select_n3A_423, %select_n3A_428 : vector<16xi1>, vector<16xf32>
          %select_n3A_447 = arith.select %lt3A_444, %select_n3A_430, %select_n3A_425 : vector<16xi1>, vector<16xi32>
          %select_n3A_448 = arith.select %lt3A_444, %select_n3A_425, %select_n3A_430 : vector<16xi1>, vector<16xi32>
          %masked_sort3A_449 = arith.constant dense<true> : vector<16xi1>
          %masked_sort3A_450, %masked_sort3A_451, %masked_sort3A_452 = tpu.sort %select_n3A_445, %select_n3A_447 masked %masked_sort3A_449 : (vector<16xf32>, vector<16xi32>, vector<16xi1>) -> (vector<16xi1>, vector<16xf32>, vector<16xi32>)
          %masked_sort3A_453 = arith.constant dense<true> : vector<16xi1>
          %masked_sort3A_454, %masked_sort3A_455, %masked_sort3A_456 = tpu.sort %select_n3A_446, %select_n3A_448 masked %masked_sort3A_453 : (vector<16xf32>, vector<16xi32>, vector<16xi1>) -> (vector<16xi1>, vector<16xf32>, vector<16xi32>)
          %add3A_457 = arith.constant 0 : i32
          %add3A_458 = arith.addi %mul3A_294, %add3A_457 : i32
          %swap3A_459 = arith.index_cast %add3A_458 : i32 to index
          %swap3A_460 = tpu.vector_load %arg6[%swap3A_459] {strides = array<i32>} : memref<2048xf32, #tpu.memory_space<vmem>>, vector<16xf32>,
          tpu.vector_store %arg6[%swap3A_459], %masked_sort3A_438 {strides = array<i32>} : memref<2048xf32, #tpu.memory_space<vmem>>, vector<16xf32>,
          %add3A_461 = arith.constant 0 : i32
          %add3A_462 = arith.addi %mul3A_294, %add3A_461 : i32
          %swap3A_463 = arith.index_cast %add3A_462 : i32 to index
          %swap3A_464 = tpu.vector_load %arg7[%swap3A_463] {strides = array<i32>} : memref<2048xi32, #tpu.memory_space<vmem>>, vector<16xi32>,
          tpu.vector_store %arg7[%swap3A_463], %masked_sort3A_439 {strides = array<i32>} : memref<2048xi32, #tpu.memory_space<vmem>>, vector<16xi32>,
          %add3A_465 = arith.constant 16 : i32
          %add3A_466 = arith.addi %mul3A_294, %add3A_465 : i32
          %swap3A_467 = arith.index_cast %add3A_466 : i32 to index
          %swap3A_468 = tpu.vector_load %arg6[%swap3A_467] {strides = array<i32>} : memref<2048xf32, #tpu.memory_space<vmem>>, vector<16xf32>,
          tpu.vector_store %arg6[%swap3A_467], %masked_sort3A_442 {strides = array<i32>} : memref<2048xf32, #tpu.memory_space<vmem>>, vector<16xf32>,
          %add3A_469 = arith.constant 16 : i32
          %add3A_470 = arith.addi %mul3A_294, %add3A_469 : i32
          %swap3A_471 = arith.index_cast %add3A_470 : i32 to index
          %swap3A_472 = tpu.vector_load %arg7[%swap3A_471] {strides = array<i32>} : memref<2048xi32, #tpu.memory_space<vmem>>, vector<16xi32>,
          tpu.vector_store %arg7[%swap3A_471], %masked_sort3A_443 {strides = array<i32>} : memref<2048xi32, #tpu.memory_space<vmem>>, vector<16xi32>,
          %add3A_473 = arith.constant 32 : i32
          %add3A_474 = arith.addi %mul3A_294, %add3A_473 : i32
          %swap3A_475 = arith.index_cast %add3A_474 : i32 to index
          %swap3A_476 = tpu.vector_load %arg6[%swap3A_475] {strides = array<i32>} : memref<2048xf32, #tpu.memory_space<vmem>>, vector<16xf32>,
          tpu.vector_store %arg6[%swap3A_475], %masked_sort3A_451 {strides = array<i32>} : memref<2048xf32, #tpu.memory_space<vmem>>, vector<16xf32>,
          %add3A_477 = arith.constant 32 : i32
          %add3A_478 = arith.addi %mul3A_294, %add3A_477 : i32
          %swap3A_479 = arith.index_cast %add3A_478 : i32 to index
          %swap3A_480 = tpu.vector_load %arg7[%swap3A_479] {strides = array<i32>} : memref<2048xi32, #tpu.memory_space<vmem>>, vector<16xi32>,
          tpu.vector_store %arg7[%swap3A_479], %masked_sort3A_452 {strides = array<i32>} : memref<2048xi32, #tpu.memory_space<vmem>>, vector<16xi32>,
          %add3A_481 = arith.constant 48 : i32
          %add3A_482 = arith.addi %mul3A_294, %add3A_481 : i32
          %swap3A_483 = arith.index_cast %add3A_482 : i32 to index
          %swap3A_484 = tpu.vector_load %arg6[%swap3A_483] {strides = array<i32>} : memref<2048xf32, #tpu.memory_space<vmem>>, vector<16xf32>,
          tpu.vector_store %arg6[%swap3A_483], %masked_sort3A_455 {strides = array<i32>} : memref<2048xf32, #tpu.memory_space<vmem>>, vector<16xf32>,
          %add3A_485 = arith.constant 48 : i32
          %add3A_486 = arith.addi %mul3A_294, %add3A_485 : i32
          %swap3A_487 = arith.index_cast %add3A_486 : i32 to index
          %swap3A_488 = tpu.vector_load %arg7[%swap3A_487] {strides = array<i32>} : memref<2048xi32, #tpu.memory_space<vmem>>, vector<16xi32>,
          tpu.vector_store %arg7[%swap3A_487], %masked_sort3A_456 {strides = array<i32>} : memref<2048xi32, #tpu.memory_space<vmem>>, vector<16xi32>,
          %scan3A_489 = arith.constant 0 : i32
          scf.yield %scan3A_489 : i32
        }
        %scan3A_65 = arith.constant 2 : i32
        %scan3A_66 = arith.constant 0 : i32
        %scan3A_67 = arith.constant 0 : i32
        %mul3A_68 = arith.constant 2048 : i32
        %mul3A_69 = arith.muli %scan3A_67, %mul3A_68 : i32
        %add3A_70 = arith.constant 1024 : i32
        %add3A_71 = arith.addi %mul3A_69, %add3A_70 : i32
        %add3A_72 = arith.constant 0 : i32
        %add3A_73 = arith.addi %mul3A_69, %add3A_72 : i32
        %get3A = arith.index_cast %add3A_73 : i32 to index
        %get3A_74 = tpu.vector_load %arg6[%get3A] {strides = array<i32>} : memref<2048xf32, #tpu.memory_space<vmem>>, vector<16xf32>,
        %add3A_75 = arith.constant 16 : i32
        %add3A_76 = arith.addi %mul3A_69, %add3A_75 : i32
        %get3A_77 = arith.index_cast %add3A_76 : i32 to index
        %get3A_78 = tpu.vector_load %arg6[%get3A_77] {strides = array<i32>} : memref<2048xf32, #tpu.memory_space<vmem>>, vector<16xf32>,
        %add3A_79 = arith.constant 32 : i32
        %add3A_80 = arith.addi %mul3A_69, %add3A_79 : i32
        %get3A_81 = arith.index_cast %add3A_80 : i32 to index
        %get3A_82 = tpu.vector_load %arg6[%get3A_81] {strides = array<i32>} : memref<2048xf32, #tpu.memory_space<vmem>>, vector<16xf32>,
        %add3A_83 = arith.constant 48 : i32
        %add3A_84 = arith.addi %mul3A_69, %add3A_83 : i32
        %get3A_85 = arith.index_cast %add3A_84 : i32 to index
        %get3A_86 = tpu.vector_load %arg6[%get3A_85] {strides = array<i32>} : memref<2048xf32, #tpu.memory_space<vmem>>, vector<16xf32>,
        %add3A_87 = arith.constant 0 : i32
        %add3A_88 = arith.addi %mul3A_69, %add3A_87 : i32
        %get3A_89 = arith.index_cast %add3A_88 : i32 to index
        %get3A_90 = tpu.vector_load %arg7[%get3A_89] {strides = array<i32>} : memref<2048xi32, #tpu.memory_space<vmem>>, vector<16xi32>,
        %add3A_91 = arith.constant 16 : i32
        %add3A_92 = arith.addi %mul3A_69, %add3A_91 : i32
        %get3A_93 = arith.index_cast %add3A_92 : i32 to index
        %get3A_94 = tpu.vector_load %arg7[%get3A_93] {strides = array<i32>} : memref<2048xi32, #tpu.memory_space<vmem>>, vector<16xi32>,
        %add3A_95 = arith.constant 32 : i32
        %add3A_96 = arith.addi %mul3A_69, %add3A_95 : i32
        %get3A_97 = arith.index_cast %add3A_96 : i32 to index
        %get3A_98 = tpu.vector_load %arg7[%get3A_97] {strides = array<i32>} : memref<2048xi32, #tpu.memory_space<vmem>>, vector<16xi32>,
        %add3A_99 = arith.constant 48 : i32
        %add3A_100 = arith.addi %mul3A_69, %add3A_99 : i32
        %get3A_101 = arith.index_cast %add3A_100 : i32 to index
        %get3A_102 = tpu.vector_load %arg7[%get3A_101] {strides = array<i32>} : memref<2048xi32, #tpu.memory_space<vmem>>, vector<16xi32>,
        %add3A_103 = arith.constant 0 : i32
        %add3A_104 = arith.addi %add3A_71, %add3A_103 : i32
        %get3A_105 = arith.index_cast %add3A_104 : i32 to index
        %get3A_106 = tpu.vector_load %arg6[%get3A_105] {strides = array<i32>} : memref<2048xf32, #tpu.memory_space<vmem>>, vector<16xf32>,
        %add3A_107 = arith.constant 16 : i32
        %add3A_108 = arith.addi %add3A_71, %add3A_107 : i32
        %get3A_109 = arith.index_cast %add3A_108 : i32 to index
        %get3A_110 = tpu.vector_load %arg6[%get3A_109] {strides = array<i32>} : memref<2048xf32, #tpu.memory_space<vmem>>, vector<16xf32>,
        %add3A_111 = arith.constant 32 : i32
        %add3A_112 = arith.addi %add3A_71, %add3A_111 : i32
        %get3A_113 = arith.index_cast %add3A_112 : i32 to index
        %get3A_114 = tpu.vector_load %arg6[%get3A_113] {strides = array<i32>} : memref<2048xf32, #tpu.memory_space<vmem>>, vector<16xf32>,
        %add3A_115 = arith.constant 48 : i32
        %add3A_116 = arith.addi %add3A_71, %add3A_115 : i32
        %get3A_117 = arith.index_cast %add3A_116 : i32 to index
        %get3A_118 = tpu.vector_load %arg6[%get3A_117] {strides = array<i32>} : memref<2048xf32, #tpu.memory_space<vmem>>, vector<16xf32>,
        %add3A_119 = arith.constant 0 : i32
        %add3A_120 = arith.addi %add3A_71, %add3A_119 : i32
        %get3A_121 = arith.index_cast %add3A_120 : i32 to index
        %get3A_122 = tpu.vector_load %arg7[%get3A_121] {strides = array<i32>} : memref<2048xi32, #tpu.memory_space<vmem>>, vector<16xi32>,
        %add3A_123 = arith.constant 16 : i32
        %add3A_124 = arith.addi %add3A_71, %add3A_123 : i32
        %get3A_125 = arith.index_cast %add3A_124 : i32 to index
        %get3A_126 = tpu.vector_load %arg7[%get3A_125] {strides = array<i32>} : memref<2048xi32, #tpu.memory_space<vmem>>, vector<16xi32>,
        %add3A_127 = arith.constant 32 : i32
        %add3A_128 = arith.addi %add3A_71, %add3A_127 : i32
        %get3A_129 = arith.index_cast %add3A_128 : i32 to index
        %get3A_130 = tpu.vector_load %arg7[%get3A_129] {strides = array<i32>} : memref<2048xi32, #tpu.memory_space<vmem>>, vector<16xi32>,
        %add3A_131 = arith.constant 48 : i32
        %add3A_132 = arith.addi %add3A_71, %add3A_131 : i32
        %get3A_133 = arith.index_cast %add3A_132 : i32 to index
        %get3A_134 = tpu.vector_load %arg7[%get3A_133] {strides = array<i32>} : memref<2048xi32, #tpu.memory_space<vmem>>, vector<16xi32>,
        %rev3A = arith.constant 15 : i32
        %rev3A_135 = vector.broadcast %rev3A : i32 to vector<16xi32>
        %rev3A_136 = tpu.iota {dimensions = array<i32: 0>} : vector<16xi32>
        %rev3A_137 = arith.subi %rev3A_135, %rev3A_136 : vector<16xi32>
        %rev3A_138 = tpu.dynamic_gather %get3A_118[%rev3A_137] in [0] : vector<16xf32>, vector<16xi32> -> vector<16xf32>
        %rev3A_139 = arith.constant 15 : i32
        %rev3A_140 = vector.broadcast %rev3A_139 : i32 to vector<16xi32>
        %rev3A_141 = tpu.iota {dimensions = array<i32: 0>} : vector<16xi32>
        %rev3A_142 = arith.subi %rev3A_140, %rev3A_141 : vector<16xi32>
        %rev3A_143 = tpu.dynamic_gather %get3A_114[%rev3A_142] in [0] : vector<16xf32>, vector<16xi32> -> vector<16xf32>
        %rev3A_144 = arith.constant 15 : i32
        %rev3A_145 = vector.broadcast %rev3A_144 : i32 to vector<16xi32>
        %rev3A_146 = tpu.iota {dimensions = array<i32: 0>} : vector<16xi32>
        %rev3A_147 = arith.subi %rev3A_145, %rev3A_146 : vector<16xi32>
        %rev3A_148 = tpu.dynamic_gather %get3A_110[%rev3A_147] in [0] : vector<16xf32>, vector<16xi32> -> vector<16xf32>
        %rev3A_149 = arith.constant 15 : i32
        %rev3A_150 = vector.broadcast %rev3A_149 : i32 to vector<16xi32>
        %rev3A_151 = tpu.iota {dimensions = array<i32: 0>} : vector<16xi32>
        %rev3A_152 = arith.subi %rev3A_150, %rev3A_151 : vector<16xi32>
        %rev3A_153 = tpu.dynamic_gather %get3A_106[%rev3A_152] in [0] : vector<16xf32>, vector<16xi32> -> vector<16xf32>
        %rev3A_154 = arith.constant 15 : i32
        %rev3A_155 = vector.broadcast %rev3A_154 : i32 to vector<16xi32>
        %rev3A_156 = tpu.iota {dimensions = array<i32: 0>} : vector<16xi32>
        %rev3A_157 = arith.subi %rev3A_155, %rev3A_156 : vector<16xi32>
        %rev3A_158 = tpu.dynamic_gather %get3A_134[%rev3A_157] in [0] : vector<16xi32>, vector<16xi32> -> vector<16xi32>
        %rev3A_159 = arith.constant 15 : i32
        %rev3A_160 = vector.broadcast %rev3A_159 : i32 to vector<16xi32>
        %rev3A_161 = tpu.iota {dimensions = array<i32: 0>} : vector<16xi32>
        %rev3A_162 = arith.subi %rev3A_160, %rev3A_161 : vector<16xi32>
        %rev3A_163 = tpu.dynamic_gather %get3A_130[%rev3A_162] in [0] : vector<16xi32>, vector<16xi32> -> vector<16xi32>
        %rev3A_164 = arith.constant 15 : i32
        %rev3A_165 = vector.broadcast %rev3A_164 : i32 to vector<16xi32>
        %rev3A_166 = tpu.iota {dimensions = array<i32: 0>} : vector<16xi32>
        %rev3A_167 = arith.subi %rev3A_165, %rev3A_166 : vector<16xi32>
        %rev3A_168 = tpu.dynamic_gather %get3A_126[%rev3A_167] in [0] : vector<16xi32>, vector<16xi32> -> vector<16xi32>
        %rev3A_169 = arith.constant 15 : i32
        %rev3A_170 = vector.broadcast %rev3A_169 : i32 to vector<16xi32>
        %rev3A_171 = tpu.iota {dimensions = array<i32: 0>} : vector<16xi32>
        %rev3A_172 = arith.subi %rev3A_170, %rev3A_171 : vector<16xi32>
        %rev3A_173 = tpu.dynamic_gather %get3A_122[%rev3A_172] in [0] : vector<16xi32>, vector<16xi32> -> vector<16xi32>
        %lt3A = arith.cmpf olt, %rev3A_138, %get3A_74 : vector<16xf32>
        %select_n3A = arith.select %lt3A, %rev3A_138, %get3A_74 : vector<16xi1>, vector<16xf32>
        %select_n3A_174 = arith.select %lt3A, %get3A_74, %rev3A_138 : vector<16xi1>, vector<16xf32>
        %select_n3A_175 = arith.select %lt3A, %rev3A_158, %get3A_90 : vector<16xi1>, vector<16xi32>
        %select_n3A_176 = arith.select %lt3A, %get3A_90, %rev3A_158 : vector<16xi1>, vector<16xi32>
        %lt3A_177 = arith.cmpf olt, %rev3A_143, %get3A_78 : vector<16xf32>
        %select_n3A_178 = arith.select %lt3A_177, %rev3A_143, %get3A_78 : vector<16xi1>, vector<16xf32>
        %select_n3A_179 = arith.select %lt3A_177, %get3A_78, %rev3A_143 : vector<16xi1>, vector<16xf32>
        %select_n3A_180 = arith.select %lt3A_177, %rev3A_163, %get3A_94 : vector<16xi1>, vector<16xi32>
        %select_n3A_181 = arith.select %lt3A_177, %get3A_94, %rev3A_163 : vector<16xi1>, vector<16xi32>
        %lt3A_182 = arith.cmpf olt, %rev3A_148, %get3A_82 : vector<16xf32>
        %select_n3A_183 = arith.select %lt3A_182, %rev3A_148, %get3A_82 : vector<16xi1>, vector<16xf32>
        %select_n3A_184 = arith.select %lt3A_182, %get3A_82, %rev3A_148 : vector<16xi1>, vector<16xf32>
        %select_n3A_185 = arith.select %lt3A_182, %rev3A_168, %get3A_98 : vector<16xi1>, vector<16xi32>
        %select_n3A_186 = arith.select %lt3A_182, %get3A_98, %rev3A_168 : vector<16xi1>, vector<16xi32>
        %lt3A_187 = arith.cmpf olt, %rev3A_153, %get3A_86 : vector<16xf32>
        %select_n3A_188 = arith.select %lt3A_187, %rev3A_153, %get3A_86 : vector<16xi1>, vector<16xf32>
        %select_n3A_189 = arith.select %lt3A_187, %get3A_86, %rev3A_153 : vector<16xi1>, vector<16xf32>
        %select_n3A_190 = arith.select %lt3A_187, %rev3A_173, %get3A_102 : vector<16xi1>, vector<16xi32>
        %select_n3A_191 = arith.select %lt3A_187, %get3A_102, %rev3A_173 : vector<16xi1>, vector<16xi32>
        %lt3A_192 = arith.cmpf olt, %select_n3A_183, %select_n3A : vector<16xf32>
        %select_n3A_193 = arith.select %lt3A_192, %select_n3A_183, %select_n3A : vector<16xi1>, vector<16xf32>
        %select_n3A_194 = arith.select %lt3A_192, %select_n3A, %select_n3A_183 : vector<16xi1>, vector<16xf32>
        %select_n3A_195 = arith.select %lt3A_192, %select_n3A_185, %select_n3A_175 : vector<16xi1>, vector<16xi32>
        %select_n3A_196 = arith.select %lt3A_192, %select_n3A_175, %select_n3A_185 : vector<16xi1>, vector<16xi32>
        %lt3A_197 = arith.cmpf olt, %select_n3A_188, %select_n3A_178 : vector<16xf32>
        %select_n3A_198 = arith.select %lt3A_197, %select_n3A_188, %select_n3A_178 : vector<16xi1>, vector<16xf32>
        %select_n3A_199 = arith.select %lt3A_197, %select_n3A_178, %select_n3A_188 : vector<16xi1>, vector<16xf32>
        %select_n3A_200 = arith.select %lt3A_197, %select_n3A_190, %select_n3A_180 : vector<16xi1>, vector<16xi32>
        %select_n3A_201 = arith.select %lt3A_197, %select_n3A_180, %select_n3A_190 : vector<16xi1>, vector<16xi32>
        %lt3A_202 = arith.cmpf olt, %select_n3A_198, %select_n3A_193 : vector<16xf32>
        %select_n3A_203 = arith.select %lt3A_202, %select_n3A_198, %select_n3A_193 : vector<16xi1>, vector<16xf32>
        %select_n3A_204 = arith.select %lt3A_202, %select_n3A_193, %select_n3A_198 : vector<16xi1>, vector<16xf32>
        %select_n3A_205 = arith.select %lt3A_202, %select_n3A_200, %select_n3A_195 : vector<16xi1>, vector<16xi32>
        %select_n3A_206 = arith.select %lt3A_202, %select_n3A_195, %select_n3A_200 : vector<16xi1>, vector<16xi32>
        %masked_sort3A = arith.constant dense<true> : vector<16xi1>
        %masked_sort3A_207, %masked_sort3A_208, %masked_sort3A_209 = tpu.sort %select_n3A_203, %select_n3A_205 masked %masked_sort3A : (vector<16xf32>, vector<16xi32>, vector<16xi1>) -> (vector<16xi1>, vector<16xf32>, vector<16xi32>)
        %masked_sort3A_210 = arith.constant dense<true> : vector<16xi1>
        %masked_sort3A_211, %masked_sort3A_212, %masked_sort3A_213 = tpu.sort %select_n3A_204, %select_n3A_206 masked %masked_sort3A_210 : (vector<16xf32>, vector<16xi32>, vector<16xi1>) -> (vector<16xi1>, vector<16xf32>, vector<16xi32>)
        %lt3A_214 = arith.cmpf olt, %select_n3A_199, %select_n3A_194 : vector<16xf32>
        %select_n3A_215 = arith.select %lt3A_214, %select_n3A_199, %select_n3A_194 : vector<16xi1>, vector<16xf32>
        %select_n3A_216 = arith.select %lt3A_214, %select_n3A_194, %select_n3A_199 : vector<16xi1>, vector<16xf32>
        %select_n3A_217 = arith.select %lt3A_214, %select_n3A_201, %select_n3A_196 : vector<16xi1>, vector<16xi32>
        %select_n3A_218 = arith.select %lt3A_214, %select_n3A_196, %select_n3A_201 : vector<16xi1>, vector<16xi32>
        %masked_sort3A_219 = arith.constant dense<true> : vector<16xi1>
        %masked_sort3A_220, %masked_sort3A_221, %masked_sort3A_222 = tpu.sort %select_n3A_215, %select_n3A_217 masked %masked_sort3A_219 : (vector<16xf32>, vector<16xi32>, vector<16xi1>) -> (vector<16xi1>, vector<16xf32>, vector<16xi32>)
        %masked_sort3A_223 = arith.constant dense<true> : vector<16xi1>
        %masked_sort3A_224, %masked_sort3A_225, %masked_sort3A_226 = tpu.sort %select_n3A_216, %select_n3A_218 masked %masked_sort3A_223 : (vector<16xf32>, vector<16xi32>, vector<16xi1>) -> (vector<16xi1>, vector<16xf32>, vector<16xi32>)
        %add3A_227 = arith.constant 0 : i32
        %add3A_228 = arith.addi %mul3A_69, %add3A_227 : i32
        %swap3A = arith.index_cast %add3A_228 : i32 to index
        %swap3A_229 = tpu.vector_load %arg6[%swap3A] {strides = array<i32>} : memref<2048xf32, #tpu.memory_space<vmem>>, vector<16xf32>,
        tpu.vector_store %arg6[%swap3A], %masked_sort3A_208 {strides = array<i32>} : memref<2048xf32, #tpu.memory_space<vmem>>, vector<16xf32>,
        %add3A_230 = arith.constant 0 : i32
        %add3A_231 = arith.addi %mul3A_69, %add3A_230 : i32
        %swap3A_232 = arith.index_cast %add3A_231 : i32 to index
        %swap3A_233 = tpu.vector_load %arg7[%swap3A_232] {strides = array<i32>} : memref<2048xi32, #tpu.memory_space<vmem>>, vector<16xi32>,
        tpu.vector_store %arg7[%swap3A_232], %masked_sort3A_209 {strides = array<i32>} : memref<2048xi32, #tpu.memory_space<vmem>>, vector<16xi32>,
        %add3A_234 = arith.constant 16 : i32
        %add3A_235 = arith.addi %mul3A_69, %add3A_234 : i32
        %swap3A_236 = arith.index_cast %add3A_235 : i32 to index
        %swap3A_237 = tpu.vector_load %arg6[%swap3A_236] {strides = array<i32>} : memref<2048xf32, #tpu.memory_space<vmem>>, vector<16xf32>,
        tpu.vector_store %arg6[%swap3A_236], %masked_sort3A_212 {strides = array<i32>} : memref<2048xf32, #tpu.memory_space<vmem>>, vector<16xf32>,
        %add3A_238 = arith.constant 16 : i32
        %add3A_239 = arith.addi %mul3A_69, %add3A_238 : i32
        %swap3A_240 = arith.index_cast %add3A_239 : i32 to index
        %swap3A_241 = tpu.vector_load %arg7[%swap3A_240] {strides = array<i32>} : memref<2048xi32, #tpu.memory_space<vmem>>, vector<16xi32>,
        tpu.vector_store %arg7[%swap3A_240], %masked_sort3A_213 {strides = array<i32>} : memref<2048xi32, #tpu.memory_space<vmem>>, vector<16xi32>,
        %add3A_242 = arith.constant 32 : i32
        %add3A_243 = arith.addi %mul3A_69, %add3A_242 : i32
        %swap3A_244 = arith.index_cast %add3A_243 : i32 to index
        %swap3A_245 = tpu.vector_load %arg6[%swap3A_244] {strides = array<i32>} : memref<2048xf32, #tpu.memory_space<vmem>>, vector<16xf32>,
        tpu.vector_store %arg6[%swap3A_244], %masked_sort3A_221 {strides = array<i32>} : memref<2048xf32, #tpu.memory_space<vmem>>, vector<16xf32>,
        %add3A_246 = arith.constant 32 : i32
        %add3A_247 = arith.addi %mul3A_69, %add3A_246 : i32
        %swap3A_248 = arith.index_cast %add3A_247 : i32 to index
        %swap3A_249 = tpu.vector_load %arg7[%swap3A_248] {strides = array<i32>} : memref<2048xi32, #tpu.memory_space<vmem>>, vector<16xi32>,
        tpu.vector_store %arg7[%swap3A_248], %masked_sort3A_222 {strides = array<i32>} : memref<2048xi32, #tpu.memory_space<vmem>>, vector<16xi32>,
        %add3A_250 = arith.constant 48 : i32
        %add3A_251 = arith.addi %mul3A_69, %add3A_250 : i32
        %swap3A_252 = arith.index_cast %add3A_251 : i32 to index
        %swap3A_253 = tpu.vector_load %arg6[%swap3A_252] {strides = array<i32>} : memref<2048xf32, #tpu.memory_space<vmem>>, vector<16xf32>,
        tpu.vector_store %arg6[%swap3A_252], %masked_sort3A_225 {strides = array<i32>} : memref<2048xf32, #tpu.memory_space<vmem>>, vector<16xf32>,
        %add3A_254 = arith.constant 48 : i32
        %add3A_255 = arith.addi %mul3A_69, %add3A_254 : i32
        %swap3A_256 = arith.index_cast %add3A_255 : i32 to index
        %swap3A_257 = tpu.vector_load %arg7[%swap3A_256] {strides = array<i32>} : memref<2048xi32, #tpu.memory_space<vmem>>, vector<16xi32>,
        tpu.vector_store %arg7[%swap3A_256], %masked_sort3A_226 {strides = array<i32>} : memref<2048xi32, #tpu.memory_space<vmem>>, vector<16xi32>,
        %scan3A_258 = arith.constant 0 : i32
        %scan3A_259 = arith.constant 1 : i32
        %get3A_260 = arith.constant 0 : index
        %get3A_261 = tpu.vector_load %arg6[%get3A_260] {strides = array<i32>} : memref<2048xf32, #tpu.memory_space<vmem>>, vector<16xf32>,
        %swap3A_262 = arith.index_cast %scan3A_22 : i32 to index
        %swap3A_263 = arith.constant 0 : index
        %swap3A_264 = tpu.vector_load %arg9[%swap3A_262, %swap3A_263] {strides = array<i32>} : memref<16x48xf32, #tpu.memory_space<vmem>>, vector<16xf32>,
        tpu.vector_store %arg9[%swap3A_262, %swap3A_263], %get3A_261 {strides = array<i32>} : memref<16x48xf32, #tpu.memory_space<vmem>>, vector<16xf32>,
        %get3A_265 = arith.constant 0 : index
        %get3A_266 = tpu.vector_load %arg7[%get3A_265] {strides = array<i32>} : memref<2048xi32, #tpu.memory_space<vmem>>, vector<16xi32>,
        %swap3A_267 = arith.index_cast %scan3A_22 : i32 to index
        %swap3A_268 = arith.constant 0 : index
        %swap3A_269 = tpu.vector_load %arg8[%swap3A_267, %swap3A_268] {strides = array<i32>} : memref<16x48xi32, #tpu.memory_space<vmem>>, vector<16xi32>,
        tpu.vector_store %arg8[%swap3A_267, %swap3A_268], %get3A_266 {strides = array<i32>} : memref<16x48xi32, #tpu.memory_space<vmem>>, vector<16xi32>,
        %get3A_270 = arith.constant 16 : index
        %get3A_271 = tpu.vector_load %arg6[%get3A_270] {strides = array<i32>} : memref<2048xf32, #tpu.memory_space<vmem>>, vector<16xf32>,
        %swap3A_272 = arith.index_cast %scan3A_22 : i32 to index
        %swap3A_273 = arith.constant 16 : index
        %swap3A_274 = tpu.vector_load %arg9[%swap3A_272, %swap3A_273] {strides = array<i32>} : memref<16x48xf32, #tpu.memory_space<vmem>>, vector<16xf32>,
        tpu.vector_store %arg9[%swap3A_272, %swap3A_273], %get3A_271 {strides = array<i32>} : memref<16x48xf32, #tpu.memory_space<vmem>>, vector<16xf32>,
        %get3A_275 = arith.constant 16 : index
        %get3A_276 = tpu.vector_load %arg7[%get3A_275] {strides = array<i32>} : memref<2048xi32, #tpu.memory_space<vmem>>, vector<16xi32>,
        %swap3A_277 = arith.index_cast %scan3A_22 : i32 to index
        %swap3A_278 = arith.constant 16 : index
        %swap3A_279 = tpu.vector_load %arg8[%swap3A_277, %swap3A_278] {strides = array<i32>} : memref<16x48xi32, #tpu.memory_space<vmem>>, vector<16xi32>,
        tpu.vector_store %arg8[%swap3A_277, %swap3A_278], %get3A_276 {strides = array<i32>} : memref<16x48xi32, #tpu.memory_space<vmem>>, vector<16xi32>,
        %get3A_280 = arith.constant 32 : index
        %get3A_281 = tpu.vector_load %arg6[%get3A_280] {strides = array<i32>} : memref<2048xf32, #tpu.memory_space<vmem>>, vector<16xf32>,
        %swap3A_282 = arith.index_cast %scan3A_22 : i32 to index
        %swap3A_283 = arith.constant 32 : index
        %swap3A_284 = tpu.vector_load %arg9[%swap3A_282, %swap3A_283] {strides = array<i32>} : memref<16x48xf32, #tpu.memory_space<vmem>>, vector<16xf32>,
        tpu.vector_store %arg9[%swap3A_282, %swap3A_283], %get3A_281 {strides = array<i32>} : memref<16x48xf32, #tpu.memory_space<vmem>>, vector<16xf32>,
        %get3A_285 = arith.constant 32 : index
        %get3A_286 = tpu.vector_load %arg7[%get3A_285] {strides = array<i32>} : memref<2048xi32, #tpu.memory_space<vmem>>, vector<16xi32>,
        %swap3A_287 = arith.index_cast %scan3A_22 : i32 to index
        %swap3A_288 = arith.constant 32 : index
        %swap3A_289 = tpu.vector_load %arg8[%swap3A_287, %swap3A_288] {strides = array<i32>} : memref<16x48xi32, #tpu.memory_space<vmem>>, vector<16xi32>,
        tpu.vector_store %arg8[%swap3A_287, %swap3A_288], %get3A_286 {strides = array<i32>} : memref<16x48xi32, #tpu.memory_space<vmem>>, vector<16xi32>,
        %scan3A_290 = arith.constant 0 : i32
        scf.yield %scan3A_290 : i32
      }
      %scan3A_20 = arith.constant 16 : i32
      "tpu.region"() ({
        %run_scoped3A = tpu.sem_alloc : memref<!tpu.dma_semaphore, #tpu.memory_space<semaphore_mem>>
        %dma_start3A = arith.constant 0 : i32
        %dma_start3A_22 = tpu.memref_slice %arg3[%add3A_13, %dma_start3A] : memref<16384x48xi32, #tpu.memory_space<hbm>> -> memref<16x48xi32, #tpu.memory_space<hbm>>
        %dma_start3A_23 = arith.constant 0 : i32
        %dma_start3A_24 = tpu.memref_slice %arg3[%add3A_13, %dma_start3A_23] : memref<16384x48xi32, #tpu.memory_space<hbm>> -> memref<16x48xi32, #tpu.memory_space<hbm>>
        tpu.enqueue_dma source(%arg8 : memref<16x48xi32, #tpu.memory_space<vmem>>) target(%dma_start3A_24 : memref<16x48xi32, #tpu.memory_space<hbm>>) target_semaphore(%run_scoped3A : memref<!tpu.dma_semaphore, #tpu.memory_space<semaphore_mem>>)
        %dma_wait3A = arith.constant 0 : i32
        %dma_wait3A_25 = tpu.memref_slice %arg3[%add3A_13, %dma_wait3A] : memref<16384x48xi32, #tpu.memory_space<hbm>> -> memref<16x48xi32, #tpu.memory_space<hbm>>
        %dma_wait3A_26 = arith.constant 0 : i32
        %dma_wait3A_27 = tpu.memref_slice %arg3[%add3A_13, %dma_wait3A_26] : memref<16384x48xi32, #tpu.memory_space<hbm>> -> memref<16x48xi32, #tpu.memory_space<hbm>>
        tpu.wait_dma2 semaphore(%run_scoped3A : memref<!tpu.dma_semaphore, #tpu.memory_space<semaphore_mem>>) src(%arg8 : memref<16x48xi32, #tpu.memory_space<vmem>>) dst(%dma_wait3A_27 : memref<16x48xi32, #tpu.memory_space<hbm>>)
        tpu.yield
      }) : () -> ()
      "tpu.region"() ({
        %run_scoped3A = tpu.sem_alloc : memref<!tpu.dma_semaphore, #tpu.memory_space<semaphore_mem>>
        %dma_start3A = arith.constant 0 : i32
        %dma_start3A_22 = tpu.memref_slice %arg4[%add3A_13, %dma_start3A] : memref<16384x48xf32, #tpu.memory_space<hbm>> -> memref<16x48xf32, #tpu.memory_space<hbm>>
        %dma_start3A_23 = arith.constant 0 : i32
        %dma_start3A_24 = tpu.memref_slice %arg4[%add3A_13, %dma_start3A_23] : memref<16384x48xf32, #tpu.memory_space<hbm>> -> memref<16x48xf32, #tpu.memory_space<hbm>>
        tpu.enqueue_dma source(%arg9 : memref<16x48xf32, #tpu.memory_space<vmem>>) target(%dma_start3A_24 : memref<16x48xf32, #tpu.memory_space<hbm>>) target_semaphore(%run_scoped3A : memref<!tpu.dma_semaphore, #tpu.memory_space<semaphore_mem>>)
        %dma_wait3A = arith.constant 0 : i32
        %dma_wait3A_25 = tpu.memref_slice %arg4[%add3A_13, %dma_wait3A] : memref<16384x48xf32, #tpu.memory_space<hbm>> -> memref<16x48xf32, #tpu.memory_space<hbm>>
        %dma_wait3A_26 = arith.constant 0 : i32
        %dma_wait3A_27 = tpu.memref_slice %arg4[%add3A_13, %dma_wait3A_26] : memref<16384x48xf32, #tpu.memory_space<hbm>> -> memref<16x48xf32, #tpu.memory_space<hbm>>
        tpu.wait_dma2 semaphore(%run_scoped3A : memref<!tpu.dma_semaphore, #tpu.memory_space<semaphore_mem>>) src(%arg9 : memref<16x48xf32, #tpu.memory_space<vmem>>) dst(%dma_wait3A_27 : memref<16x48xf32, #tpu.memory_space<hbm>>)
        tpu.yield
      }) : () -> ()
      %scan3A_21 = arith.constant 0 : i32
      scf.yield %scan3A_21 : i32
    }
    %scan3A_8 = arith.constant 32 : i32
    return
  }
}

</mosaic_0001>

<sc_bundles>
// kernel: kernel.3.cloned.1.call-start
scs
__scs_entry_jumppad:
0x0: {  	(pc) =	sbr.rel $0x88, $3  }
0x1: {  	(tag) =	ssettag $0x0;
	lr =	simm.s32 $0x1  }
0x2: {  	[smem:$0x3FA0] =	sst lr;
	_ =	strace $0xD0000000  }
0x3: {  	_ = 	snop  }
0x4: {  	_ = 	snop  }
0x5: {  	_ = 	snop  }
0x6: {  	_ = 	snop  }
0x7: {  	_ = 	snop  }
__scs_overlays_trampoline_lowered:
0x8: {  	[smem:$0x3FAF] =	sst s0  }
0x9: {  	[smem:$0x3FB0] =	sst s1  }
0xa: {  	[smem:$0x3FB1] =	sst s2  }
0xb: {  	[smem:$0x3FB2] =	sst s3  }
0xc: {  	[smem:$0x3FB3] =	sst s4  }
0xd: {  	[smem:$0x3FB4] =	sst s5  }
0xe: {  	[smem:$0x3FB5] =	sst s6  }
0xf: {  	[smem:$0x3FB6] =	sst s7  }
0x10: {  	[smem:$0x3FB7] =	sst s8  }
0x11: {  	[smem:$0x3FB8] =	sst s9;
	s0 =	simm.s32 @!p0 $0x0  }
0x12: {  	s1 =	sld [smem:$0x3F9E];
	s0 =	simm.s32 @p0 $0x1  }
0x13: {  	[smem:$0x3FB9] =	sst s0;
	s0 =	simm.s32 @!p1 $0x0  }
0x14: {  	s2 =	sld [smem:$0x3F9D];
	s0 =	simm.s32 @p1 $0x1  }
0x15: {  	[smem:$0x3FBA] =	sst s0;
	s0 =	simm.s32 @!p2 $0x0  }
0x16: {  	s3 =	sld [smem:$0x3FDB];
	s0 =	simm.s32 @p2 $0x1  }
0x17: {  	s4 =	simm.s32 $0x1BF5;
	[smem:$0x3FBC] =	sst s0  }
0x18: {  	s0 =	sld [smem:$0x3F9F];
	_ =	swait.ge [sflag:s4], $0x0  }
0x19: {  	s7 =	sld [smem:$0x3FA0]  }
0x1a: {  	s8 =	sadd.s32 $0xFFFFE003, lr  }
0x1b: {  	s9 =	sadd.s32 $0xFFFFFEF7, lr;
	s5 =	simm.s32 $0xFFFFFFFF;
	p2 =	slt.u32 s8, $0xFFFFF086  }
0x1c: {  	p1 =	slt.u32 s9, $0xF7A;
	s5 =	simm.s32 @!p2 $0x0  }
0x1d: {  	s5 =	simm.s32 @p1 $0x1;
	p0 =	seq.s32 s7, s2  }
0x1e: {  	s7 =	smul.u32 @!p0 $0xF7A, s2;
	p2 =	seq.s32 @!p0 s5, $0x0  }
0x1f: {  	s9 =	smul.u32 $0xF7A, s1;
	s8 =	simm.s32 @!p0 $0x1BF5;
	p2 =	por !p2, p0  }
0x20: {  	[sflag:s8] =	ssyncset.s32 @!p0 $0xFFFFF086;
	s6 =	sadd.s32 @!p0 s3, s7;
	s7 =	simm.s32 @!p0 $0x108  }
0x21: {  	s3 =	sadd.s32 s3, s9;
	s6 =	sadd.s32 @!p0 $0x88, s6;
	s7 =	simm.s32 @p2 $0x1082  }
0x22: {  	[simem:s7], [sflag:s8] =	dma.local @!p0 [hbm:s6], $0xF7A  }
0x23: {  	s9 =	sor.u32 $0xD0000000, s2;
	s6 =	simm.s32 $0x108;
	_ =	swait.ge @!p0 [sflag:s8], $0x0  }
0x24: {  	s3 =	sadd.s32 $0x88, s3;
	s6 =	simm.s32 @!p1 $0x1082;
	[sflag:s4] =	ssyncset.s32 $0xFFFFF086  }
0x25: {  	[simem:s6], [sflag:s4] =	dma.local [hbm:s3], $0xF7A  }
0x26: {  	[smem:$0x3FA0] =	sst s1;
	(tag) =	ssettag s2;
	_ =	strace s9  }
0x27: {  	s1 =	sld [smem:$0x3FB0]  }
0x28: {  	s2 =	sld [smem:$0x3FB1]  }
0x29: {  	s4 =	sld [smem:$0x3FB3]  }
0x2a: {  	p0 =	seq.s32 s5, $0x0;
	s5 =	sld [smem:$0x3FB4]  }
0x2b: {  	s6 =	sld [smem:$0x3FB5]  }
0x2c: {  	s7 =	sld [smem:$0x3FB6]  }
0x2d: {  	s3 =	simm.s32 $0x108;
	s8 =	sld [smem:$0x3FB7]  }
0x2e: {  	s3 =	simm.s32 @!p0 $0x1082;
	s9 =	sld [smem:$0x3FB8]  }
0x2f: {  	lr =	sadd.s32 s0, s3;
	s0 =	sld [smem:$0x3FAF]  }
0x30: {  	s3 =	sld [smem:$0x3FB2]  }
0x31: {  	[smem:$0x3FBB] =	sst s10  }
0x32: {  	s10 =	sld [smem:$0x3FB9];
	_ =	sdelay $0x3  }
0x33: {  	p0 =	seq.s32 s10, $0x1;
	s10 =	sld [smem:$0x3FBB];
	_ =	sdelay $0x3  }
0x34: {  	[smem:$0x3FBB] =	sst s10  }
0x35: {  	s10 =	sld [smem:$0x3FBA];
	_ =	sdelay $0x3  }
0x36: {  	p1 =	seq.s32 s10, $0x1;
	s10 =	sld [smem:$0x3FBB];
	_ =	sdelay $0x3  }
0x37: {  	[smem:$0x3FBB] =	sst s10  }
0x38: {  	s10 =	sld [smem:$0x3FBC]  }
0x39: {  	_ = 	snop;
	(pc) =	sbr.ind lr, $3  }
0x3a: {  	_ = 	snop  }
0x3b: {  	_ = 	snop  }
0x3c: {  	p2 =	seq.s32 s10, $0x1;
	s10 =	sld [smem:$0x3FBB]  }
0x3d: {  	_ =	shalt  }
0x3e: {  	_ =	shalt  }
0x3f: {  	_ =	shalt  }
0x40: {  	_ =	shalt  }
0x41: {  	_ =	shalt  }
0x42: {  	_ =	shalt  }
0x43: {  	_ =	shalt  }
0x44: {  	_ =	shalt  }
0x45: {  	_ =	shalt  }
0x46: {  	_ =	shalt  }
0x47: {  	_ =	shalt  }
0x48: {  	_ =	shalt  }
0x49: {  	_ =	shalt  }
0x4a: {  	_ =	shalt  }
0x4b: {  	_ =	shalt  }
0x4c: {  	_ =	shalt  }
0x4d: {  	_ =	shalt  }
0x4e: {  	_ =	shalt  }
0x4f: {  	_ =	shalt  }
0x50: {  	_ =	shalt  }
0x51: {  	_ =	shalt  }
0x52: {  	_ =	shalt  }
0x53: {  	_ =	shalt  }
0x54: {  	_ =	shalt  }
0x55: {  	_ =	shalt  }
0x56: {  	_ =	shalt  }
0x57: {  	_ =	shalt  }
0x58: {  	_ =	shalt  }
0x59: {  	_ =	shalt  }
0x5a: {  	_ =	shalt  }
0x5b: {  	_ =	shalt  }
0x5c: {  	_ =	shalt  }
0x5d: {  	_ =	shalt  }
0x5e: {  	_ =	shalt  }
0x5f: {  	_ =	shalt  }
0x60: {  	_ =	shalt  }
0x61: {  	_ =	shalt  }
0x62: {  	_ =	shalt  }
0x63: {  	_ =	shalt  }
0x64: {  	_ =	shalt  }
0x65: {  	_ =	shalt  }
0x66: {  	_ =	shalt  }
0x67: {  	_ =	shalt  }
0x68: {  	_ =	shalt  }
0x69: {  	_ =	shalt  }
0x6a: {  	_ =	shalt  }
0x6b: {  	_ =	shalt  }
0x6c: {  	_ =	shalt  }
0x6d: {  	_ =	shalt  }
0x6e: {  	_ =	shalt  }
0x6f: {  	_ =	shalt  }
0x70: {  	_ =	shalt  }
0x71: {  	_ =	shalt  }
0x72: {  	_ =	shalt  }
0x73: {  	_ =	shalt  }
0x74: {  	_ =	shalt  }
0x75: {  	_ =	shalt  }
0x76: {  	_ =	shalt  }
0x77: {  	_ =	shalt  }
0x78: {  	_ =	shalt  }
0x79: {  	_ =	shalt  }
0x7a: {  	_ =	shalt  }
0x7b: {  	_ =	shalt  }
0x7c: {  	_ =	shalt  }
0x7d: {  	_ =	shalt  }
0x7e: {  	_ =	shalt  }
0x7f: {  	_ =	shalt  }
0x80: {  	_ =	shalt  }
0x81: {  	_ =	shalt  }
0x82: {  	_ =	shalt  }
0x83: {  	_ =	shalt  }
0x84: {  	_ =	shalt  }
0x85: {  	_ =	shalt  }
0x86: {  	_ =	shalt  }
0x87: {  	_ =	shalt  }
.Lfunc_end0:
.L_simem_size_0:
called_computation_lowered:
.L_overlay_start_0:
0x88: {  	s2 =	sld [smem:$0x3FD9]  }
0x89: {  	s3 =	sld [smem:$0x3FFE];
	_ =	sdelay $0x1  }
0x8a: {  	s1 =	srdreg.scid  }
0x8b: {  	s0 =	sand.u32 $0x1, s1  }
0x8c: {  	s17 =	sshll.u32 s0, $0xA;
	s2 =	sadd.s32 s3, s2  }
0x8d: {  	s2 =	sadd.s32 s2, s17  }
0x8e: {  	[smem:$0x3FC7] =	sst s2  }
0x8f: {  	_ = 	snop  }
0x90: {  	s2 =	sld [smem:$0x3FC9];
	(tm) =	ssettm $0x1  }
0x91: {  	s18 =	sld [smem:$0x3FFB];
	_ =	sdelay $0x3  }
0x92: {  	_ =	strace s18  }
0x93: {  	s3 =	sld [smem:$0x3FFC];
	_ =	sdelay $0x3  }
0x94: {  	_ =	strace s3  }
0x95: {  	s3 =	sld [smem:$0x3FFD];
	_ =	sdelay $0x3  }
0x96: {  	_ =	strace s3  }
0x97: {  	_ =	strace $0x8FFFFFFF  }
0x98: {  	s19 =	sld [smem:$0x3FDB];
	_ =	sdelay $0x1  }
0x99: {  	s4 =	simm.s32 $_scs_section_size  }
0x9a: {  	s5 =	simm.s32 $_size__tile_overlayer_lowered;
	s6 =	simm.s32 $_tile_overlayer_lowered  }
0x9b: {  	s22 =	simm.s32 $0x1BFF;
	s21 =	sshll.u32 s6, $0x1;
	s3 =	sadd.s32 s4, s19  }
0x9c: {  	s7 =	simm.s32 $0x0;
	s20 =	sshll.u32 s5, $0x1;
	s5 =	sadd.s32 s21, s3  }
0x9d: {  	[timem:s7], [sflag:s22] =	dma.local [hbm:s5], s20  }
0x9e: {  	_ =	swait.ge [sflag:s22], s20  }
0x9f: {  	s4 =	ssub.s32 $0x0, s20;
	[sflag:s22] =	ssyncset.done $0x0  }
0xa0: {  	[sflag:s22] =	ssyncadd.s32 s4;
	_ =	sdelay $0x1  }
0xa1: {  	s23 =	simm.s32 $0x1B8B  }
0xa2: {  	_ =	swait.ge [sflag:s23], $0x1  }
0xa3: {  	[sflag:s23] =	ssyncset.done $0x0  }
0xa4: {  	s25 =	simm.s32 $0x1B8E;
	s24 =	sld [smem:$0x3FFE];
	[sflag:s23] =	ssyncadd.s32 $0xFFFFFFFF  }
0xa5: {  	s26 =	simm.s32 $execute0_lowered;
	[smem:$0x3FD2] =	sst s25  }
0xa6: {  	s5 =	sshll.u32 s26, $0x1;
	_ =	strace $0x80000046;
	[dreg:$0x1] =	wrdreg $0xFFFFFFFF  }
0xa7: {  	s28 =	simm.s32 $_size_execute0_lowered;
	s3 =	sadd.s32 s3, s5;
	[dreg:$0x0] =	wrdreg $0x0  }
0xa8: {  	s5 =	sshll.u32 s28, $0x1;
	[dreg:$0x2] =	wrdreg s3  }
0xa9: {  	[dreg:$0x3] =	wrdreg s5  }
0xaa: {  	[dreg:$0x4] =	wrdreg $0xC0  }
0xab: {  	_ =	task [dreg:s7], $0x5FFFF  }
0xac: {  	[dreg:$0x1] =	wrdreg $0xFFFFFFFF  }
0xad: {  	[dreg:$0x0] =	wrdreg $0x60  }
0xae: {  	[dreg:$0x2] =	wrdreg s2  }
0xaf: {  	[dreg:$0x3] =	wrdreg s24  }
0xb0: {  	[dreg:$0x4] =	wrdreg $0x9  }
0xb1: {  	_ =	task.clear_ibuf [dreg:s7], $0x5FFFF;
	_ =	strace $0x90000046  }
0xb2: {  	s29 =	simm.s32 $0x9;
	_ =	strace $0x80000048  }
0xb3: {  	_ =	swait.ge [sflag:s29], $0x1  }
0xb4: {  	[sflag:s29] =	ssyncadd.s32 $0xFFFFFFFF  }
0xb5: {  	_ =	strace $0x90000048  }
0xb6: {  	_ =	sfence  }
0xb7: {  	s30 =	sld [smem:$0x0];
	_ =	sdelay $0x2  }
0xb8: {  	s31 =	sshll.u32 s1, $0xD;
	s1 =	sshrl.u32 s1, $0x2  }
0xb9: {  	s3 =	sand.u32 $0x4000, s31;
	s1 =	sadd.s32 s1, s30  }
0xba: {  	s0 =	sor.u32 s3, s0;
	s1 =	sshll.u32 s1, $0x11  }
0xbb: {  	s0 =	sor.u32 s1, s0  }
0xbc: {  	s0 =	sadd.s32 $0x8F2B, s0  }
0xbd: {  	[sflag:s0] =	ssyncadd.remote.s32 $0x1  }
0xbe: {  	_ =	sfence.sel $0xFFFF  }
0xbf: {  	[dreg:$0x0] =	wrdreg $0xFFFFFFFF;
	(pc) =	sbr.abs _section_cstart, $3  }
0xc0: {  	[dreg:$0x1] =	wrdreg $0xFFFFFFFF  }
0xc1: {  	_ =	task.clear_ibuf [dreg:s7], $0x2FFFF;
	_ =	strace $0x9FFFFFFF  }
0xc2: {  	(tm) =	ssettm $0x7FFFFFFF  }
0xc3: {  	_ =	shalt  }
tec
execute0_lowered:
.L_overlay_start_1:
0x0: {  	(tag) =	ssettag $0x1  }
0x1: {  	s1 =	rddreg [dreg:$0x0]  }
0x2: {  	s3 =	rddreg [dreg:$0x1]  }
0x3: {  	s0 =	rddreg [dreg:$0x2];
	s2 =	simm.s32 $0x0  }
0x4: {  	s4 =	srdreg.scid;
	s9 =	simm.s32 $0x9000;
	s10 =	simm.s32 $0x9800  }
0x5: {  	s11 =	simm.s32 $0x0;
	[smem:$0x7FF] =	sst s2;
	s6 =	sand.u32 $0x1, s4  }
0x6: {  	v0 =	vlaneseq.u32;
	s4 =	sadd.s32 $0xA00, s3;
	s5 =	sadd.s32 $0x40A00, s3;
	s7 =	ssub.s32 $0x2, s6  }
0x7: {  	s3 =	stileid.u32;
	v1 =	vmul.u32 $0xFFFFFFFF, v0;
	_ =	strace $0x80000047;
	s8 =	sshrl.u32 s7, $0x1  }
0x8: {  	s31 =	sshll.u32 s3, $0xA;
	s6 =	sshll.u32 s6, $0x9;
	s7 =	ssub.s32 s7, s8  }
0x9: {  	s6 =	sor.u32 s6, s31;
	v1 =	vadd.s32 $0xF, v1;
	s8 =	simm.s32 $0x1;
	s7 =	smax.u32 s7, $0x1  }
.LBB2_1:
0xa: {  	s12 =	simm.s32 $0x0  }
.LBB2_2:
0xb: {  	s13 =	sshll.u32 s12, $0x4  }
0xc: {  	s13 =	sadd.s32 s6, s13  }
0xd: {  	s14 =	sshll.u32 s13, $0x8  }
0xe: {  	s15 =	sadd.s32 s1, s14;
	s14 =	simm.s32 $0x0  }
0xf: {  	[tilespmem:s14], [sflag:$0x1] =	stream.linear.gather [hbm4b:s15+s14], $0x8000, $0x38;
	[tilespmem:$0xA000] =	vst v63  }
0x10: {  	_ =	swait.ge [sflag:s8], $0x8000  }
0x11: {  	[sflag:s8] =	ssyncset.done $0x0  }
0x12: {  	s15 =	simm.s32 $0x0;
	[sflag:s8] =	ssyncadd.s32 $0xFFFF8000  }
.LBB2_3:
0x13: {  	s17 =	sshll.u32 s15, $0xB;
	s16 =	sshll.u32 s15, $0x7  }
0x14: {  	s19 =	sand.u32 $0xF000, s14;
	s17 =	sand.u32 $0x4000, s17;
	s18 =	sand.u32 $0x380, s16  }
0x15: {  	s30 =	simm.s32 $0x10;
	s29 =	sshrl.u32 s19, $0x2;
	s17 =	sor.u32 s18, s17  }
0x16: {  	s20 =	sand.u32 $0x70, s30;
	s18 =	sadd.s32 s29, s17  }
0x17: {  	s20 =	sadd.s32 s20, s18  }
0x18: {  	s21 =	sand.u32 $0x60, s14;
	v2 =	vld [tilespmem:s20+$0x0]  }
0x19: {  	s18 =	sadd.s32 s21, s18  }
0x1a: {  	v3 =	vld [tilespmem:s18+$0x0];
	_ =	sdelay $0x1  }
0x1b: {  	v4 =	vor.u32 s30, v0  }
0x1c: {  	(xrf1) =	vsort.ascd.msk.f32 $0xffff, v2, v4  }
0x1d: {  	v2 =	vor.u32 s14, v0  }
0x1e: {  	(xrf1) =	vsort.ascd.msk.f32 $0xffff, v3, v2;
	_ =	sdelay $0xb  }
0x1f: {  	v2, v3, _ =	vpop (xrf1)  }
0x20: {  	v2 =	vperm.xlane v2, v1  }
0x21: {  	v3 =	vperm.xlane v3, v1;
	v63, v5, _ =	vpop (xrf1)  }
0x22: {  	vm0 =	vlt.f32 v2, v63  }
0x23: {  	v6 =	vsel vm0, v2, v63;
	v7 =	vsel vm0, v3, v5  }
0x24: {  	(xrf1) =	vsort.ascd.msk.f32 $0xffff, v6, v7  }
0x25: {  	v2 =	vsel vm0, v63, v2;
	v3 =	vsel vm0, v5, v3  }
0x26: {  	(xrf1) =	vsort.ascd.msk.f32 $0xffff, v2, v3;
	_ =	sdelay $0xb  }
0x27: {  	s21 =	simm.s32 $0x400;
	s18 =	simm.s32 $0x8010;
	v2, v3, _ =	vpop (xrf1)  }
0x28: {  	s22 =	simm.s32 $0x8810;
	s24 =	simm.s32 $0x30;
	s31 =	sand.u32 $0xF000, s21;
	[tilespmem:s18+$0xFFFFFFF0] =	vst v2  }
0x29: {  	s26 =	simm.s32 $0x40;
	s28 =	sand.u32 $0x70, s24;
	s19 =	sshrl.u32 s31, $0x2;
	[tilespmem:s22+$0xFFFFFFF0] =	vst v3;
	v3, v2, _ =	vpop (xrf1)  }
0x2a: {  	s20 =	simm.s32 $0x20;
	s25 =	sadd.s32 s19, s17;
	s19 =	simm.s32 $0x8830;
	[tilespmem:s18+$0x0] =	vst v3  }
.LBB2_4:
0x2b: {  	s28 =	sadd.s32 s28, s25;
	s18 =	sadd.s32 $0x20, s18  }
0x2c: {  	[tilespmem:s22+$0x0] =	vst v2;
	s29 =	smov.u32 s26;
	s23 =	sadd.s32 $0x20, s26;
	s22 =	smov.u32 s19  }
0x2d: {  	p0 =	sne.s32 s26, $0x7E0;
	s26 =	sand.u32 $0x60, s20;
	v2 =	vld [tilespmem:s28+$0x0]  }
0x2e: {  	s25 =	sadd.s32 s26, s25  }
0x2f: {  	v3 =	vld [tilespmem:s25+$0x0];
	_ =	sdelay $0x1  }
0x30: {  	v4 =	vor.u32 s24, v0  }
0x31: {  	(xrf1) =	vsort.ascd.msk.f32 $0xffff, v2, v4  }
0x32: {  	v2 =	vor.u32 s20, v0;
	s20 =	smov.u32 s29  }
0x33: {  	(xrf1) =	vsort.ascd.msk.f32 $0xffff, v3, v2;
	_ =	sdelay $0xb  }
0x34: {  	v2, v3, _ =	vpop (xrf1)  }
0x35: {  	v2 =	vperm.xlane v2, v1  }
0x36: {  	v3 =	vperm.xlane v3, v1;
	v4, v5, _ =	vpop (xrf1)  }
0x37: {  	vm0 =	vlt.f32 v2, v4  }
0x38: {  	v6 =	vsel vm0, v2, v4;
	v2 =	vsel vm0, v4, v2;
	v4 =	vsel vm0, v3, v5  }
0x39: {  	v3 =	vsel vm0, v5, v3;
	(xrf1) =	vsort.ascd.msk.f32 $0xffff, v6, v4;
	_ =	sdelay $0x1  }
0x3a: {  	(xrf1) =	vsort.ascd.msk.f32 $0xffff, v2, v3;
	_ =	sdelay $0xa  }
.Ltmp0:
0x3b: {  	(pc) =	sbr.rel @p0 .LBB2_4-.Ltmp0, $4  }
0x3c: {  	s21 =	sadd.s32 $0x400, s21;
	v2, v3, _ =	vpop (xrf1)  }
0x3d: {  	s24 =	sand.u32 $0xF000, s21;
	[tilespmem:s18+$0xFFFFFFF0] =	vst v2  }
0x3e: {  	s26 =	smov.u32 s23;
	s25 =	sshrl.u32 s24, $0x2;
	s24 =	sadd.s32 $0x10, s20;
	[tilespmem:s19+$0xFFFFFFF0] =	vst v3;
	v3, v2, _ =	vpop (xrf1)  }
0x3f: {  	s25 =	sadd.s32 s25, s17;
	s28 =	sand.u32 $0x70, s24;
	s19 =	sadd.s32 $0x20, s19;
	[tilespmem:s18+$0x0] =	vst v3  }
0x40: {  	s17 =	sadd.s32 s28, s25;
	[tilespmem:s22+$0x0] =	vst v2  }
0x41: {  	s21 =	sand.u32 $0x60, s20;
	v2 =	vld [tilespmem:s17+$0x0]  }
0x42: {  	s30 =	sadd.s32 s21, s25  }
0x43: {  	v3 =	vld [tilespmem:s30+$0x0];
	_ =	sdelay $0x1  }
0x44: {  	v4 =	vor.u32 s24, v0  }
0x45: {  	(xrf1) =	vsort.ascd.msk.f32 $0xffff, v2, v4  }
0x46: {  	v2 =	vor.u32 s20, v0  }
0x47: {  	(xrf1) =	vsort.ascd.msk.f32 $0xffff, v3, v2;
	_ =	sdelay $0xb  }
0x48: {  	v2, v3, _ =	vpop (xrf1)  }
0x49: {  	v2 =	vperm.xlane v2, v1  }
0x4a: {  	v3 =	vperm.xlane v3, v1;
	v54, v5, _ =	vpop (xrf1)  }
0x4b: {  	vm0 =	vlt.f32 v2, v54  }
0x4c: {  	v6 =	vsel vm0, v2, v54;
	v7 =	vsel vm0, v3, v5  }
0x4d: {  	(xrf1) =	vsort.ascd.msk.f32 $0xffff, v6, v7  }
0x4e: {  	v2 =	vsel vm0, v54, v2;
	v3 =	vsel vm0, v5, v3  }
0x4f: {  	(xrf1) =	vsort.ascd.msk.f32 $0xffff, v2, v3;
	_ =	sdelay $0xb  }
0x50: {  	s31 =	sadd.s32 $0x20, s18;
	v2, v3, _ =	vpop (xrf1)  }
0x51: {  	[tilespmem:s31+$0xFFFFFFF0] =	vst v2  }
0x52: {  	[tilespmem:s19+$0xFFFFFFF0] =	vst v3;
	v2, v3, _ =	vpop (xrf1)  }
0x53: {  	[tilespmem:s31+$0x0] =	vst v2  }
0x54: {  	s17 =	simm.s32 $0x0;
	[tilespmem:s19+$0x0] =	vst v3  }
0x55: {  	v2 =	vld [tilespmem:s17+$0x8830]  }
0x56: {  	v3 =	vld [tilespmem:s17+$0x8030]  }
0x57: {  	v55 =	vld [tilespmem:s17+$0x8820]  }
0x58: {  	v56 =	vld [tilespmem:s17+$0x8020]  }
0x59: {  	v57 =	vld [tilespmem:s17+$0x8010]  }
0x5a: {  	v58 =	vld [tilespmem:s17+$0x8000]  }
0x5b: {  	v8 =	vld [tilespmem:s17+$0x8800]  }
0x5c: {  	v9 =	vld [tilespmem:s17+$0x8810]  }
0x5d: {  	v3 =	vperm.xlane v3, v1;
	v5 =	vperm.xlane v56, v1  }
0x5e: {  	v2 =	vperm.xlane v2, v1  }
0x5f: {  	v4 =	vperm.xlane v55, v1;
	vm14 =	vlt.f32 v3, v58;
	vm1 =	vlt.f32 v5, v57  }
0x60: {  	v10 =	vsel vm14, v3, v58;
	v3 =	vsel vm14, v58, v3;
	v59 =	vsel vm1, v57, v5  }
0x61: {  	v11 =	vsel vm14, v8, v2;
	v12 =	vsel vm1, v9, v4;
	vm2 =	vlt.f32 v59, v3  }
0x62: {  	v13 =	vsel vm2, v59, v3;
	v3 =	vsel vm2, v3, v59;
	v60 =	vsel vm2, v11, v12  }
0x63: {  	p0 =	por $0x1, $0x1;
	v61 =	vsel vm2, v12, v11;
	(xrf1) =	vsort.ascd.msk.f32 $0xffff, v3, v60  }
.Ltmp1:
0x64: {  	v5 =	vsel vm1, v5, v57;
	(xrf1) =	vsort.ascd.msk.f32 $0xffff, v13, v61;
	(pc) =	sbr.rel @!p0 .LBB2_7-.Ltmp1, $4  }
0x65: {  	v2 =	vsel vm14, v2, v8;
	vm15 =	vlt.f32 v5, v10;
	v3 =	vsel vm1, v4, v9  }
0x66: {  	v62 =	vsel vm15, v10, v5;
	v63 =	vsel vm15, v2, v3  }
0x67: {  	v5 =	vsel vm15, v5, v10;
	v2 =	vsel vm15, v3, v2;
	(xrf1) =	vsort.ascd.msk.f32 $0xffff, v62, v63  }
0x68: {  	s18 =	simm.s32 $0x0;
	s19 =	simm.s32 $0x100;
	(xrf1) =	vsort.ascd.msk.f32 $0xffff, v5, v2  }
.LBB2_6:
0x69: {  	_ =	sdelay $0x5  }
0x6a: {  	p0 =	sne.s32 s19, $0x1F00;
	s20 =	smov.u32 s19;
	s19 =	sadd.s32 $0x100, s19  }
0x6b: {  	_ = 	snop  }
0x6c: {  	v2, v3, _ =	vpop (xrf1)  }
0x6d: {  	[tilespmem:s18+$0x8830] =	vst v3;
	v3, v4, _ =	vpop (xrf1)  }
0x6e: {  	s20 =	sshra.s32 s20, $0x2;
	[tilespmem:s18+$0x8030] =	vst v2  }
0x6f: {  	v2 =	vld [tilespmem:s20+$0x8830];
	[tilespmem:s18+$0x8820] =	vst v4  }
0x70: {  	v4 =	vld [tilespmem:s20+$0x8030];
	[tilespmem:s18+$0x8020] =	vst v3;
	v3, v5, _ =	vpop (xrf1)  }
0x71: {  	v6 =	vld [tilespmem:s20+$0x8820];
	[tilespmem:s18+$0x8010] =	vst v3;
	v3, v7, _ =	vpop (xrf1)  }
0x72: {  	v8 =	vld [tilespmem:s20+$0x8020];
	[tilespmem:s18+$0x8000] =	vst v3  }
0x73: {  	v3 =	vld [tilespmem:s20+$0x8010];
	[tilespmem:s18+$0x8800] =	vst v7  }
0x74: {  	v7 =	vld [tilespmem:s20+$0x8000];
	[tilespmem:s18+$0x8810] =	vst v5;
	s18 =	smov.u32 s20  }
0x75: {  	v5 =	vld [tilespmem:s18+$0x8800]  }
0x76: {  	v9 =	vld [tilespmem:s18+$0x8810]  }
0x77: {  	v4 =	vperm.xlane v4, v1;
	v8 =	vperm.xlane v8, v1  }
0x78: {  	v2 =	vperm.xlane v2, v1  }
0x79: {  	v6 =	vperm.xlane v6, v1;
	vm0 =	vlt.f32 v4, v7;
	vm1 =	vlt.f32 v8, v3  }
0x7a: {  	v10 =	vsel vm0, v4, v7;
	v4 =	vsel vm0, v7, v4;
	v7 =	vsel vm1, v3, v8  }
0x7b: {  	v11 =	vsel vm0, v5, v2;
	v12 =	vsel vm1, v9, v6;
	vm2 =	vlt.f32 v7, v4  }
0x7c: {  	v13 =	vsel vm2, v7, v4;
	v4 =	vsel vm2, v4, v7;
	v7 =	vsel vm2, v11, v12  }
0x7d: {  	v3 =	vsel vm1, v8, v3;
	v8 =	vsel vm2, v12, v11;
	(xrf1) =	vsort.ascd.msk.f32 $0xffff, v4, v7  }
.Ltmp2:
0x7e: {  	v4 =	vsel vm1, v6, v9;
	vm1 =	vlt.f32 v3, v10;
	(xrf1) =	vsort.ascd.msk.f32 $0xffff, v13, v8;
	(pc) =	sbr.rel @p0 .LBB2_6-.Ltmp2, $4  }
0x7f: {  	v2 =	vsel vm0, v2, v5;
	v5 =	vsel vm1, v3, v10;
	v3 =	vsel vm1, v10, v3  }
0x80: {  	v6 =	vsel vm1, v4, v2;
	v2 =	vsel vm1, v2, v4  }
0x81: {  	(xrf1) =	vsort.ascd.msk.f32 $0xffff, v3, v2  }
0x82: {  	(xrf1) =	vsort.ascd.msk.f32 $0xffff, v5, v6  }
.LBB2_7:
0x83: {  	_ =	sdelay $0x7  }
0x84: {  	v2, v3, _ =	vpop (xrf1)  }
0x85: {  	[tilespmem:s18+$0x8830] =	vst v3  }
0x86: {  	v3, v4, _ =	vpop (xrf1);
	[tilespmem:s18+$0x8030] =	vst v2  }
0x87: {  	[tilespmem:s18+$0x8820] =	vst v4  }
0x88: {  	[tilespmem:s18+$0x8020] =	vst v3;
	v2, v3, _ =	vpop (xrf1)  }
0x89: {  	[tilespmem:s18+$0x8010] =	vst v2  }
0x8a: {  	v2, v4, _ =	vpop (xrf1);
	[tilespmem:s18+$0x8810] =	vst v3  }
0x8b: {  	[tilespmem:s18+$0x8000] =	vst v2  }
0x8c: {  	[tilespmem:s18+$0x8800] =	vst v4  }
0x8d: {  	v8 =	vld [tilespmem:s17+$0x8840]  }
0x8e: {  	v2 =	vld [tilespmem:s17+$0x8070]  }
0x8f: {  	v3 =	vld [tilespmem:s17+$0x8060]  }
0x90: {  	v4 =	vld [tilespmem:s17+$0x8050]  }
0x91: {  	v5 =	vld [tilespmem:s17+$0x8040]  }
0x92: {  	v6 =	vld [tilespmem:s17+$0x8850]  }
0x93: {  	v7 =	vld [tilespmem:s17+$0x8870]  }
0x94: {  	v9 =	vld [tilespmem:s17+$0x8860]  }
0x95: {  	v10 =	vld [tilespmem:s17+$0x8020]  }
0x96: {  	v11 =	vld [tilespmem:s17+$0x8010]  }
0x97: {  	v12 =	vld [tilespmem:s17+$0x8820]  }
0x98: {  	v13 =	vld [tilespmem:s17+$0x8000]  }
0x99: {  	v16 =	vld [tilespmem:s17+$0x8800];
	v14 =	vperm.xlane v2, v1;
	v15 =	vperm.xlane v3, v1  }
0x9a: {  	p0 =	por $0x1, $0x1;
	v17 =	vperm.xlane v4, v1;
	v3 =	vperm.xlane v5, v1;
	v5 =	vld [tilespmem:s17+$0x8030]  }
.Ltmp3:
0x9b: {  	v2 =	vperm.xlane v9, v1;
	v6 =	vperm.xlane v6, v1;
	(pc) =	sbr.rel @!p0 .LBB2_9-.Ltmp3, $4  }
0x9c: {  	v18 =	vperm.xlane v7, v1;
	v7 =	vld [tilespmem:s17+$0x8830];
	vm1 =	vlt.f32 v17, v10;
	vm0 =	vlt.f32 v15, v11  }
0x9d: {  	vm2 =	vlt.f32 v14, v13;
	v4 =	vsel vm0, v15, v11;
	v11 =	vperm.xlane v8, v1;
	v8 =	vld [tilespmem:s17+$0x8810]  }
0x9e: {  	v6 =	vsel vm1, v6, v12;
	v9 =	vsel vm2, v14, v13;
	v12 =	vsel vm1, v17, v10  }
0x9f: {  	s18 =	simm.s32 $0x200;
	v10 =	vsel vm2, v18, v16;
	vm1 =	vlt.f32 v12, v9;
	vm2 =	vlt.f32 v3, v5  }
.LBB2_8:
0xa0: {  	p0 =	sne.s32 s18, $0x1E00;
	v3 =	vsel vm2, v3, v5;
	v5 =	vsel vm1, v12, v9;
	v13 =	vsel vm1, v10, v6;
	s19 =	smov.u32 s18;
	s18 =	sadd.s32 $0x200, s18  }
0xa1: {  	v9 =	vsel vm1, v9, v12;
	v7 =	vsel vm2, v11, v7;
	vm2 =	vlt.f32 v3, v4  }
0xa2: {  	v6 =	vsel vm1, v6, v10;
	v2 =	vsel vm0, v2, v8;
	v8 =	vsel vm2, v4, v3  }
0xa3: {  	v10 =	vsel vm2, v7, v2;
	v2 =	vsel vm2, v2, v7;
	vm0 =	vlt.f32 v8, v9  }
0xa4: {  	s19 =	sshra.s32 s19, $0x2;
	v3 =	vsel vm2, v3, v4;
	v4 =	vsel vm0, v8, v9;
	v7 =	vsel vm0, v2, v13  }
0xa5: {  	vm1 =	vlt.f32 v3, v5;
	v11 =	vld [tilespmem:s19+$0x8840];
	(xrf1) =	vsort.ascd.msk.f32 $0xffff, v4, v7  }
0xa6: {  	v7 =	vsel vm1, v3, v5;
	v3 =	vsel vm1, v5, v3;
	v5 =	vsel vm1, v6, v10;
	v4 =	vld [tilespmem:s19+$0x8070]  }
0xa7: {  	v8 =	vsel vm0, v9, v8;
	v2 =	vsel vm0, v13, v2;
	v12 =	vld [tilespmem:s19+$0x8060];
	(xrf1) =	vsort.ascd.msk.f32 $0xffff, v3, v5  }
0xa8: {  	v5 =	vsel vm1, v10, v6;
	v3 =	vld [tilespmem:s19+$0x8050];
	(xrf1) =	vsort.ascd.msk.f32 $0xffff, v8, v2  }
0xa9: {  	v2 =	vld [tilespmem:s19+$0x8040];
	(xrf1) =	vsort.ascd.msk.f32 $0xffff, v7, v5  }
0xaa: {  	v6 =	vld [tilespmem:s19+$0x8850]  }
0xab: {  	v8 =	vld [tilespmem:s19+$0x8870];
	v9 =	vperm.xlane v4, v1  }
0xac: {  	v4 =	vld [tilespmem:s19+$0x8860];
	_ =	sdelay $0x1  }
0xad: {  	v10 =	vperm.xlane v12, v1  }
0xae: {  	v12 =	vperm.xlane v3, v1;
	v3 =	vperm.xlane v2, v1;
	_ =	sdelay $0x1  }
0xaf: {  	v2 =	vperm.xlane v4, v1;
	_ =	sdelay $0x1  }
0xb0: {  	v4, v5, _ =	vpop (xrf1)  }
0xb1: {  	[tilespmem:s17+$0x8020] =	vst v4  }
0xb2: {  	v13 =	vld [tilespmem:s19+$0x8020];
	[tilespmem:s17+$0x8820] =	vst v5;
	v4, v7, _ =	vpop (xrf1)  }
0xb3: {  	[tilespmem:s17+$0x8010] =	vst v4;
	v4, v5, _ =	vpop (xrf1)  }
0xb4: {  	v14 =	vld [tilespmem:s19+$0x8010];
	[tilespmem:s17+$0x8030] =	vst v4;
	v4, v15, _ =	vpop (xrf1)  }
0xb5: {  	v16 =	vld [tilespmem:s19+$0x8820];
	[tilespmem:s17+$0x8000] =	vst v4  }
0xb6: {  	v17 =	vld [tilespmem:s19+$0x8000];
	[tilespmem:s17+$0x8800] =	vst v15  }
0xb7: {  	v15 =	vld [tilespmem:s19+$0x8800];
	vm1 =	vlt.f32 v12, v13;
	[tilespmem:s17+$0x8830] =	vst v5  }
0xb8: {  	v5 =	vld [tilespmem:s19+$0x8030];
	[tilespmem:s17+$0x8810] =	vst v7;
	s17 =	smov.u32 s19  }
.Ltmp4:
0xb9: {  	v6 =	vperm.xlane v6, v1;
	(pc) =	sbr.rel @p0 .LBB2_8-.Ltmp4, $4  }
0xba: {  	v18 =	vperm.xlane v8, v1;
	vm0 =	vlt.f32 v10, v14;
	v7 =	vld [tilespmem:s17+$0x8830]  }
0xbb: {  	v4 =	vsel vm0, v10, v14;
	v6 =	vsel vm1, v6, v16;
	v8 =	vld [tilespmem:s17+$0x8810];
	vm2 =	vlt.f32 v9, v17  }
0xbc: {  	v11 =	vperm.xlane v11, v1;
	v12 =	vsel vm1, v12, v13;
	v9 =	vsel vm2, v9, v17  }
0xbd: {  	v10 =	vsel vm2, v18, v15;
	vm2 =	vlt.f32 v3, v5;
	vm1 =	vlt.f32 v12, v9  }
.LBB2_9:
0xbe: {  	v3 =	vsel vm2, v3, v5;
	v5 =	vsel vm1, v12, v9  }
0xbf: {  	v13 =	vsel vm1, v10, v6;
	v7 =	vsel vm2, v11, v7;
	vm2 =	vlt.f32 v3, v4  }
0xc0: {  	v48 =	vsel vm1, v9, v12;
	v2 =	vsel vm0, v2, v8;
	v8 =	vsel vm2, v4, v3  }
0xc1: {  	v6 =	vsel vm1, v6, v10;
	v49 =	vsel vm2, v2, v7;
	vm0 =	vlt.f32 v8, v48  }
0xc2: {  	v3 =	vsel vm2, v3, v4;
	v4 =	vsel vm0, v8, v48;
	v50 =	vsel vm0, v49, v13  }
0xc3: {  	v2 =	vsel vm2, v7, v2;
	vm1 =	vlt.f32 v3, v5;
	(xrf1) =	vsort.ascd.msk.f32 $0xffff, v4, v50  }
0xc4: {  	v7 =	vsel vm1, v6, v2;
	v4 =	vsel vm1, v5, v3  }
0xc5: {  	(xrf1) =	vsort.ascd.msk.f32 $0xffff, v4, v7  }
0xc6: {  	v8 =	vsel vm0, v48, v8;
	v51 =	vsel vm0, v13, v49  }
0xc7: {  	(xrf1) =	vsort.ascd.msk.f32 $0xffff, v8, v51  }
0xc8: {  	v2 =	vsel vm1, v2, v6;
	v3 =	vsel vm1, v3, v5  }
0xc9: {  	(xrf1) =	vsort.ascd.msk.f32 $0xffff, v3, v2;
	_ =	sdelay $0x7  }
0xca: {  	v2, v3, _ =	vpop (xrf1)  }
0xcb: {  	[tilespmem:s17+$0x8020] =	vst v2  }
0xcc: {  	[tilespmem:s17+$0x8820] =	vst v3;
	v2, v3, _ =	vpop (xrf1)  }
0xcd: {  	[tilespmem:s17+$0x8010] =	vst v2  }
0xce: {  	v2, v4, _ =	vpop (xrf1);
	[tilespmem:s17+$0x8810] =	vst v3  }
0xcf: {  	[tilespmem:s17+$0x8030] =	vst v2  }
0xd0: {  	v2, v5, _ =	vpop (xrf1);
	[tilespmem:s17+$0x8830] =	vst v4  }
0xd1: {  	[tilespmem:s17+$0x8000] =	vst v2  }
0xd2: {  	[tilespmem:s17+$0x8800] =	vst v5;
	s17 =	simm.s32 $0x0  }
0xd3: {  	v2 =	vld [tilespmem:s17+$0x8890]  }
0xd4: {  	v3 =	vld [tilespmem:s17+$0x80B0]  }
0xd5: {  	v4 =	vld [tilespmem:s17+$0x88A0]  }
0xd6: {  	v5 =	vld [tilespmem:s17+$0x8090]  }
0xd7: {  	v6 =	vld [tilespmem:s17+$0x80A0]  }
0xd8: {  	v7 =	vld [tilespmem:s17+$0x88B0]  }
0xd9: {  	v8 =	vld [tilespmem:s17+$0x8080]  }
0xda: {  	v52 =	vld [tilespmem:s17+$0x8800]  }
0xdb: {  	v53 =	vld [tilespmem:s17+$0x8000]  }
0xdc: {  	v54 =	vld [tilespmem:s17+$0x8010]  }
0xdd: {  	v14 =	vld [tilespmem:s17+$0x8880]  }
0xde: {  	v55 =	vld [tilespmem:s17+$0x8020]  }
0xdf: {  	v56 =	vld [tilespmem:s17+$0x8030];
	v5 =	vperm.xlane v5, v1;
	v6 =	vperm.xlane v6, v1  }
0xe0: {  	v15 =	vld [tilespmem:s17+$0x8810];
	v3 =	vperm.xlane v3, v1;
	v8 =	vperm.xlane v8, v1  }
0xe1: {  	v16 =	vld [tilespmem:s17+$0x8820];
	v7 =	vperm.xlane v7, v1;
	v4 =	vperm.xlane v4, v1  }
0xe2: {  	v17 =	vld [tilespmem:s17+$0x8830];
	v2 =	vperm.xlane v2, v1;
	v57 =	vperm.xlane v14, v1;
	vm0 =	vlt.f32 v3, v53  }
0xe3: {  	vm1 =	vlt.f32 v6, v54;
	vm2 =	vlt.f32 v5, v55;
	v7 =	vsel vm0, v7, v52  }
0xe4: {  	v6 =	vsel vm1, v6, v54;
	v3 =	vsel vm0, v3, v53;
	vm0 =	vlt.f32 v8, v56  }
0xe5: {  	v5 =	vsel vm2, v5, v55;
	v4 =	vsel vm1, v4, v15;
	v8 =	vsel vm0, v8, v56  }
0xe6: {  	v58 =	vsel vm2, v2, v16;
	vm3 =	vlt.f32 v5, v3;
	vm1 =	vlt.f32 v8, v6  }
0xe7: {  	v9 =	vsel vm0, v57, v17;
	v2 =	vsel vm3, v5, v3;
	v11 =	vsel vm1, v8, v6  }
0xe8: {  	v59 =	vsel vm3, v58, v7;
	v60 =	vsel vm1, v9, v4;
	vm0 =	vlt.f32 v11, v2  }
0xe9: {  	v61 =	vsel vm0, v11, v2;
	v11 =	vsel vm0, v2, v11;
	v62 =	vsel vm0, v60, v59  }
0xea: {  	v2 =	vsel vm1, v4, v9;
	v4 =	vsel vm0, v59, v60;
	(xrf1) =	vsort.ascd.msk.f32 $0xffff, v61, v62  }
0xeb: {  	(xrf1) =	vsort.ascd.msk.f32 $0xffff, v11, v4  }
0xec: {  	v63 =	vsel vm3, v3, v5;
	v6 =	vsel vm1, v6, v8  }
0xed: {  	v3 =	vsel vm3, v7, v58;
	vm0 =	vlt.f32 v6, v63  }
0xee: {  	s19 =	simm.s32 $0x400;
	s18 =	simm.s32 $0x0;
	v5 =	vsel vm0, v6, v63;
	v4 =	vsel vm0, v63, v6;
	v6 =	vsel vm0, v2, v3  }
.LBB2_10:
0xef: {  	p0 =	sne.s32 s19, $0x1C00;
	v2 =	vsel vm0, v3, v2;
	(xrf1) =	vsort.ascd.msk.f32 $0xffff, v5, v6;
	s20 =	smov.u32 s19;
	s19 =	sadd.s32 $0x400, s19  }
0xf0: {  	(xrf1) =	vsort.ascd.msk.f32 $0xffff, v4, v2;
	_ =	sdelay $0x2  }
0xf1: {  	s20 =	sshra.s32 s20, $0x2  }
0xf2: {  	v2 =	vld [tilespmem:s20+$0x8890]  }
0xf3: {  	v3 =	vld [tilespmem:s20+$0x80B0]  }
0xf4: {  	v4 =	vld [tilespmem:s20+$0x88A0]  }
0xf5: {  	v5 =	vld [tilespmem:s20+$0x8090]  }
0xf6: {  	v6 =	vld [tilespmem:s20+$0x80A0];
	v7, v8, _ =	vpop (xrf1)  }
0xf7: {  	v9 =	vld [tilespmem:s20+$0x88B0];
	[tilespmem:s18+$0x8800] =	vst v8;
	v8, v10, _ =	vpop (xrf1)  }
0xf8: {  	v11 =	vld [tilespmem:s20+$0x8080];
	[tilespmem:s18+$0x8000] =	vst v7  }
0xf9: {  	v7 =	vld [tilespmem:s20+$0x8800];
	[tilespmem:s18+$0x8810] =	vst v10  }
0xfa: {  	v10 =	vld [tilespmem:s20+$0x8000];
	[tilespmem:s18+$0x8010] =	vst v8  }
0xfb: {  	v8 =	vld [tilespmem:s20+$0x8810];
	v12, v13, _ =	vpop (xrf1)  }
0xfc: {  	v5 =	vperm.xlane v5, v1;
	v14 =	vld [tilespmem:s20+$0x8010];
	[tilespmem:s18+$0x8020] =	vst v12;
	v12, v15, _ =	vpop (xrf1)  }
0xfd: {  	v16 =	vld [tilespmem:s20+$0x8020];
	[tilespmem:s18+$0x8030] =	vst v12  }
0xfe: {  	v6 =	vperm.xlane v6, v1;
	v11 =	vperm.xlane v11, v1;
	v12 =	vld [tilespmem:s20+$0x8030];
	[tilespmem:s18+$0x8820] =	vst v13  }
0xff: {  	v3 =	vperm.xlane v3, v1;
	v4 =	vperm.xlane v4, v1;
	v13 =	vld [tilespmem:s20+$0x8880];
	[tilespmem:s18+$0x8830] =	vst v15;
	s18 =	smov.u32 s20  }
0x100: {  	v9 =	vperm.xlane v9, v1;
	v15 =	vld [tilespmem:s18+$0x8820]  }
0x101: {  	v2 =	vperm.xlane v2, v1;
	vm0 =	vlt.f32 v3, v10;
	v17 =	vld [tilespmem:s18+$0x8830];
	vm1 =	vlt.f32 v6, v14  }
0x102: {  	v7 =	vsel vm0, v9, v7;
	v6 =	vsel vm1, v6, v14;
	vm2 =	vlt.f32 v5, v16  }
0x103: {  	v9 =	vsel vm0, v3, v10;
	v5 =	vsel vm2, v5, v16;
	vm0 =	vlt.f32 v11, v12  }
0x104: {  	v3 =	vperm.xlane v13, v1;
	v10 =	vsel vm0, v11, v12;
	vm3 =	vlt.f32 v5, v9  }
0x105: {  	v4 =	vsel vm1, v4, v8;
	v8 =	vsel vm2, v2, v15;
	vm1 =	vlt.f32 v10, v6  }
0x106: {  	v2 =	vsel vm0, v3, v17;
	v3 =	vsel vm3, v5, v9;
	v11 =	vsel vm1, v10, v6  }
0x107: {  	v12 =	vsel vm3, v8, v7;
	v13 =	vsel vm1, v2, v4;
	vm0 =	vlt.f32 v11, v3  }
0x108: {  	v14 =	vsel vm0, v11, v3;
	v11 =	vsel vm0, v3, v11;
	v3 =	vsel vm0, v13, v12  }
.Ltmp5:
0x109: {  	v2 =	vsel vm1, v4, v2;
	v4 =	vsel vm0, v12, v13;
	(xrf1) =	vsort.ascd.msk.f32 $0xffff, v14, v3;
	(pc) =	sbr.rel @p0 .LBB2_10-.Ltmp5, $4  }
0x10a: {  	v3 =	vsel vm3, v7, v8;
	(xrf1) =	vsort.ascd.msk.f32 $0xffff, v11, v4  }
0x10b: {  	v6 =	vsel vm1, v6, v10;
	v4 =	vsel vm3, v9, v5  }
0x10c: {  	vm0 =	vlt.f32 v6, v4  }
0x10d: {  	v5 =	vsel vm0, v6, v4;
	v4 =	vsel vm0, v4, v6;
	v6 =	vsel vm0, v2, v3  }
0x10e: {  	(xrf1) =	vsort.ascd.msk.f32 $0xffff, v5, v6  }
0x10f: {  	v2 =	vsel vm0, v3, v2  }
0x110: {  	(xrf1) =	vsort.ascd.msk.f32 $0xffff, v4, v2;
	_ =	sdelay $0x7  }
0x111: {  	v2, v3, _ =	vpop (xrf1)  }
0x112: {  	[tilespmem:s18+$0x8800] =	vst v3  }
0x113: {  	v3, v4, _ =	vpop (xrf1);
	[tilespmem:s18+$0x8000] =	vst v2  }
0x114: {  	[tilespmem:s18+$0x8810] =	vst v4  }
0x115: {  	[tilespmem:s18+$0x8010] =	vst v3;
	v2, v3, _ =	vpop (xrf1)  }
0x116: {  	[tilespmem:s18+$0x8020] =	vst v2  }
0x117: {  	v2, v4, _ =	vpop (xrf1);
	[tilespmem:s18+$0x8820] =	vst v3  }
0x118: {  	[tilespmem:s18+$0x8030] =	vst v2  }
0x119: {  	[tilespmem:s18+$0x8830] =	vst v4  }
0x11a: {  	v2 =	vld [tilespmem:s17+$0x8910]  }
0x11b: {  	v3 =	vld [tilespmem:s17+$0x8130]  }
0x11c: {  	v4 =	vld [tilespmem:s17+$0x8920]  }
0x11d: {  	v5 =	vld [tilespmem:s17+$0x8110]  }
0x11e: {  	v6 =	vld [tilespmem:s17+$0x8120]  }
0x11f: {  	v7 =	vld [tilespmem:s17+$0x8930]  }
0x120: {  	v8 =	vld [tilespmem:s17+$0x8100]  }
0x121: {  	v9 =	vld [tilespmem:s17+$0x8800]  }
0x122: {  	v10 =	vld [tilespmem:s17+$0x8000]  }
0x123: {  	v11 =	vld [tilespmem:s17+$0x8010]  }
0x124: {  	v14 =	vld [tilespmem:s17+$0x8900]  }
0x125: {  	v12 =	vld [tilespmem:s17+$0x8020]  }
0x126: {  	v13 =	vld [tilespmem:s17+$0x8030];
	v5 =	vperm.xlane v5, v1;
	v6 =	vperm.xlane v6, v1  }
0x127: {  	v15 =	vld [tilespmem:s17+$0x8810];
	v3 =	vperm.xlane v3, v1;
	v8 =	vperm.xlane v8, v1  }
0x128: {  	v16 =	vld [tilespmem:s17+$0x8820];
	v7 =	vperm.xlane v7, v1;
	v4 =	vperm.xlane v4, v1  }
0x129: {  	v17 =	vld [tilespmem:s17+$0x8830];
	v2 =	vperm.xlane v2, v1;
	v57 =	vperm.xlane v14, v1;
	vm0 =	vlt.f32 v3, v10  }
0x12a: {  	vm1 =	vlt.f32 v6, v11;
	vm2 =	vlt.f32 v5, v12;
	v7 =	vsel vm0, v7, v9  }
0x12b: {  	v6 =	vsel vm1, v6, v11;
	v3 =	vsel vm0, v3, v10;
	vm0 =	vlt.f32 v8, v13  }
0x12c: {  	v5 =	vsel vm2, v5, v12;
	v4 =	vsel vm1, v4, v15;
	v8 =	vsel vm0, v8, v13  }
0x12d: {  	v58 =	vsel vm2, v2, v16;
	vm3 =	vlt.f32 v5, v3;
	vm1 =	vlt.f32 v8, v6  }
0x12e: {  	v9 =	vsel vm0, v57, v17;
	v2 =	vsel vm3, v5, v3;
	v11 =	vsel vm1, v8, v6  }
0x12f: {  	v59 =	vsel vm3, v58, v7;
	v60 =	vsel vm1, v9, v4;
	vm0 =	vlt.f32 v11, v2  }
0x130: {  	v61 =	vsel vm0, v11, v2;
	v11 =	vsel vm0, v2, v11;
	v62 =	vsel vm0, v60, v59  }
0x131: {  	v2 =	vsel vm1, v4, v9;
	v4 =	vsel vm0, v59, v60;
	(xrf1) =	vsort.ascd.msk.f32 $0xffff, v61, v62  }
0x132: {  	(xrf1) =	vsort.ascd.msk.f32 $0xffff, v11, v4  }
0x133: {  	v63 =	vsel vm3, v3, v5;
	v6 =	vsel vm1, v6, v8  }
0x134: {  	v3 =	vsel vm3, v7, v58;
	vm0 =	vlt.f32 v6, v63  }
0x135: {  	s18 =	simm.s32 $0x800;
	v5 =	vsel vm0, v6, v63;
	v4 =	vsel vm0, v63, v6;
	v6 =	vsel vm0, v2, v3  }
.LBB2_12:
0x136: {  	p0 =	sne.s32 s18, $0x1800;
	v2 =	vsel vm0, v3, v2;
	(xrf1) =	vsort.ascd.msk.f32 $0xffff, v5, v6;
	s19 =	smov.u32 s18;
	s18 =	sadd.s32 $0x800, s18  }
0x137: {  	(xrf1) =	vsort.ascd.msk.f32 $0xffff, v4, v2;
	_ =	sdelay $0x2  }
0x138: {  	s19 =	sshra.s32 s19, $0x2  }
0x139: {  	v2 =	vld [tilespmem:s19+$0x8910]  }
0x13a: {  	v3 =	vld [tilespmem:s19+$0x8130]  }
0x13b: {  	v4 =	vld [tilespmem:s19+$0x8920]  }
0x13c: {  	v5 =	vld [tilespmem:s19+$0x8110]  }
0x13d: {  	v6 =	vld [tilespmem:s19+$0x8120];
	v7, v8, _ =	vpop (xrf1)  }
0x13e: {  	v9 =	vld [tilespmem:s19+$0x8930];
	[tilespmem:s17+$0x8800] =	vst v8;
	v8, v10, _ =	vpop (xrf1)  }
0x13f: {  	v11 =	vld [tilespmem:s19+$0x8100];
	[tilespmem:s17+$0x8000] =	vst v7  }
0x140: {  	v7 =	vld [tilespmem:s19+$0x8800];
	[tilespmem:s17+$0x8810] =	vst v10  }
0x141: {  	v10 =	vld [tilespmem:s19+$0x8000];
	[tilespmem:s17+$0x8010] =	vst v8  }
0x142: {  	v8 =	vld [tilespmem:s19+$0x8810];
	v12, v13, _ =	vpop (xrf1)  }
0x143: {  	v5 =	vperm.xlane v5, v1;
	v14 =	vld [tilespmem:s19+$0x8010];
	[tilespmem:s17+$0x8020] =	vst v12;
	v12, v15, _ =	vpop (xrf1)  }
0x144: {  	v16 =	vld [tilespmem:s19+$0x8020];
	[tilespmem:s17+$0x8030] =	vst v12  }
0x145: {  	v6 =	vperm.xlane v6, v1;
	v11 =	vperm.xlane v11, v1;
	v12 =	vld [tilespmem:s19+$0x8030];
	[tilespmem:s17+$0x8820] =	vst v13  }
0x146: {  	v3 =	vperm.xlane v3, v1;
	v4 =	vperm.xlane v4, v1;
	v13 =	vld [tilespmem:s19+$0x8900];
	[tilespmem:s17+$0x8830] =	vst v15;
	s17 =	smov.u32 s19  }
0x147: {  	v9 =	vperm.xlane v9, v1;
	v15 =	vld [tilespmem:s17+$0x8820]  }
0x148: {  	v2 =	vperm.xlane v2, v1;
	vm0 =	vlt.f32 v3, v10;
	v17 =	vld [tilespmem:s17+$0x8830];
	vm1 =	vlt.f32 v6, v14  }
0x149: {  	v7 =	vsel vm0, v9, v7;
	v6 =	vsel vm1, v6, v14;
	vm2 =	vlt.f32 v5, v16  }
0x14a: {  	v9 =	vsel vm0, v3, v10;
	v5 =	vsel vm2, v5, v16;
	vm0 =	vlt.f32 v11, v12  }
0x14b: {  	v3 =	vperm.xlane v13, v1;
	v10 =	vsel vm0, v11, v12;
	vm3 =	vlt.f32 v5, v9  }
0x14c: {  	v4 =	vsel vm1, v4, v8;
	v8 =	vsel vm2, v2, v15;
	vm1 =	vlt.f32 v10, v6  }
0x14d: {  	v2 =	vsel vm0, v3, v17;
	v3 =	vsel vm3, v5, v9;
	v11 =	vsel vm1, v10, v6  }
0x14e: {  	v12 =	vsel vm3, v8, v7;
	v13 =	vsel vm1, v2, v4;
	vm0 =	vlt.f32 v11, v3  }
0x14f: {  	v14 =	vsel vm0, v11, v3;
	v11 =	vsel vm0, v3, v11;
	v3 =	vsel vm0, v13, v12  }
.Ltmp6:
0x150: {  	v2 =	vsel vm1, v4, v2;
	v4 =	vsel vm0, v12, v13;
	(xrf1) =	vsort.ascd.msk.f32 $0xffff, v14, v3;
	(pc) =	sbr.rel @p0 .LBB2_12-.Ltmp6, $4  }
0x151: {  	v3 =	vsel vm3, v7, v8;
	(xrf1) =	vsort.ascd.msk.f32 $0xffff, v11, v4  }
0x152: {  	v6 =	vsel vm1, v6, v10;
	v4 =	vsel vm3, v9, v5  }
0x153: {  	vm0 =	vlt.f32 v6, v4  }
0x154: {  	v5 =	vsel vm0, v6, v4;
	v4 =	vsel vm0, v4, v6;
	v6 =	vsel vm0, v2, v3  }
0x155: {  	(xrf1) =	vsort.ascd.msk.f32 $0xffff, v5, v6  }
0x156: {  	v2 =	vsel vm0, v3, v2  }
0x157: {  	(xrf1) =	vsort.ascd.msk.f32 $0xffff, v4, v2;
	_ =	sdelay $0x7  }
0x158: {  	v2, v3, _ =	vpop (xrf1)  }
0x159: {  	[tilespmem:s17+$0x8800] =	vst v3  }
0x15a: {  	v3, v34, _ =	vpop (xrf1);
	[tilespmem:s17+$0x8000] =	vst v2  }
0x15b: {  	[tilespmem:s17+$0x8810] =	vst v34  }
0x15c: {  	[tilespmem:s17+$0x8010] =	vst v3;
	v2, v3, _ =	vpop (xrf1)  }
0x15d: {  	[tilespmem:s17+$0x8020] =	vst v2  }
0x15e: {  	v2, v35, _ =	vpop (xrf1);
	[tilespmem:s17+$0x8820] =	vst v3  }
0x15f: {  	[tilespmem:s17+$0x8030] =	vst v2  }
0x160: {  	[tilespmem:s17+$0x8830] =	vst v35  }
0x161: {  	v2 =	vld [tilespmem:$0x8000]  }
0x162: {  	v3 =	vld [tilespmem:$0x8010]  }
0x163: {  	v4 =	vld [tilespmem:$0x8020]  }
0x164: {  	v36 =	vld [tilespmem:$0x8030]  }
0x165: {  	v7 =	vld [tilespmem:$0x8200]  }
0x166: {  	v8 =	vld [tilespmem:$0x8210]  }
0x167: {  	v9 =	vld [tilespmem:$0x8220]  }
0x168: {  	v10 =	vld [tilespmem:$0x8230]  }
0x169: {  	v11 =	vld [tilespmem:$0x8A00]  }
0x16a: {  	v12 =	vld [tilespmem:$0x8A20]  }
0x16b: {  	v13 =	vld [tilespmem:$0x8A30]  }
0x16c: {  	v14 =	vld [tilespmem:$0x8A10]  }
0x16d: {  	v43 =	vld [tilespmem:$0x8600]  }
0x16e: {  	v46 =	vld [tilespmem:$0x8610]  }
0x16f: {  	v48 =	vld [tilespmem:$0x8620]  }
0x170: {  	v20 =	vld [tilespmem:$0x8E20];
	v10 =	vperm.xlane v10, v1  }
0x171: {  	v56 =	vld [tilespmem:$0x8E10];
	v9 =	vperm.xlane v9, v1;
	v8 =	vperm.xlane v8, v1  }
0x172: {  	v37 =	vld [tilespmem:$0x8800];
	v7 =	vperm.xlane v7, v1;
	v13 =	vperm.xlane v13, v1  }
0x173: {  	v38 =	vld [tilespmem:$0x8410];
	v12 =	vperm.xlane v12, v1;
	v14 =	vperm.xlane v14, v1  }
0x174: {  	v15 =	vld [tilespmem:$0x8810];
	v11 =	vperm.xlane v11, v1;
	v59 =	vperm.xlane v48, v1  }
0x175: {  	v16 =	vld [tilespmem:$0x8820];
	v60 =	vperm.xlane v46, v1;
	v61 =	vperm.xlane v43, v1  }
0x176: {  	v17 =	vld [tilespmem:$0x8830];
	v63 =	vperm.xlane v20, v1;
	v20 =	vperm.xlane v56, v1  }
0x177: {  	vm6 =	vlt.f32 v10, v2;
	vm7 =	vlt.f32 v9, v3;
	vm1 =	vlt.f32 v8, v4  }
0x178: {  	vm8 =	vlt.f32 v7, v36;
	vm14 =	vlt.f32 v59, v38;
	v2 =	vsel vm6, v10, v2  }
0x179: {  	v6 =	vsel vm6, v13, v37;
	v3 =	vsel vm7, v9, v3;
	v40 =	vsel vm7, v12, v15  }
0x17a: {  	v18 =	vld [tilespmem:$0x8400];
	v4 =	vsel vm1, v8, v4;
	v42 =	vsel vm1, v14, v16;
	v5 =	vsel vm8, v7, v36  }
0x17b: {  	v39 =	vld [tilespmem:$0x8420];
	v44 =	vsel vm8, v11, v17;
	vm9 =	vlt.f32 v4, v2;
	vm10 =	vlt.f32 v5, v3  }
0x17c: {  	v41 =	vld [tilespmem:$0x8430];
	v45 =	vsel vm9, v4, v2;
	v2 =	vsel vm9, v2, v4;
	v47 =	vsel vm9, v42, v6  }
0x17d: {  	v50 =	vld [tilespmem:$0x8630];
	v6 =	vsel vm9, v6, v42;
	v49 =	vsel vm10, v5, v3;
	v3 =	vsel vm10, v3, v5  }
0x17e: {  	v51 =	vld [tilespmem:$0x8E00];
	v17 =	vsel vm10, v44, v40;
	v7 =	vsel vm10, v40, v44;
	vm11 =	vlt.f32 v49, v45  }
0x17f: {  	v53 =	vld [tilespmem:$0x8E30];
	vm12 =	vlt.f32 v3, v2;
	v19 =	vsel vm11, v49, v45;
	v52 =	vsel vm11, v17, v47  }
0x180: {  	v62 =	vld [tilespmem:$0x8C30];
	v11 =	vsel vm11, v45, v49;
	v4 =	vsel vm11, v47, v17;
	(xrf1) =	vsort.ascd.msk.f32 $0xffff, v19, v52  }
0x181: {  	v58 =	vld [tilespmem:$0x8C10];
	v54 =	vsel vm12, v3, v2;
	v55 =	vsel vm12, v7, v6;
	(xrf1) =	vsort.ascd.msk.f32 $0xffff, v11, v4  }
0x182: {  	v2 =	vsel vm12, v2, v3;
	v3 =	vld [tilespmem:$0x8C00];
	v57 =	vsel vm12, v6, v7;
	(xrf1) =	vsort.ascd.msk.f32 $0xffff, v54, v55  }
0x183: {  	v9 =	vperm.xlane v51, v1;
	v5 =	vperm.xlane v50, v1;
	(xrf1) =	vsort.ascd.msk.f32 $0xffff, v2, v57;
	v2 =	vld [tilespmem:$0x8C20]  }
0x184: {  	vm15 =	vlt.f32 v60, v39;
	vm4 =	vlt.f32 v61, v41;
	v12 =	vperm.xlane v53, v1  }
0x185: {  	v8 =	vsel vm4, v61, v41;
	v9 =	vsel vm4, v9, v62;
	vm13 =	vlt.f32 v5, v18  }
0x186: {  	v7 =	vsel vm14, v59, v38;
	v5 =	vsel vm13, v5, v18;
	v4 =	vsel vm15, v60, v39  }
0x187: {  	v6 =	vsel vm14, v63, v58;
	vm6 =	vlt.f32 v8, v7;
	vm5 =	vlt.f32 v4, v5  }
0x188: {  	v21 =	vsel vm5, v4, v5;
	v3 =	vsel vm13, v12, v3;
	v2 =	vsel vm15, v20, v2  }
0x189: {  	v22 =	vsel vm5, v2, v3;
	v2 =	vsel vm5, v3, v2;
	v3 =	vsel vm6, v8, v7  }
0x18a: {  	v23 =	vsel vm6, v9, v6;
	vm7 =	vlt.f32 v3, v21  }
0x18b: {  	v24 =	vsel vm7, v3, v21;
	v25 =	vsel vm7, v23, v22  }
0x18c: {  	(xrf1) =	vsort.ascd.msk.f32 $0xffff, v24, v25  }
0x18d: {  	v4 =	vsel vm5, v5, v4;
	v3 =	vsel vm7, v21, v3;
	v5 =	vsel vm7, v22, v23  }
0x18e: {  	v7 =	vsel vm6, v7, v8;
	(xrf1) =	vsort.ascd.msk.f32 $0xffff, v3, v5  }
0x18f: {  	v6 =	vsel vm6, v6, v9;
	vm8 =	vlt.f32 v7, v4  }
0x190: {  	v26 =	vsel vm8, v6, v2;
	v3 =	vsel vm8, v7, v4  }
0x191: {  	(xrf1) =	vsort.ascd.msk.f32 $0xffff, v3, v26  }
0x192: {  	v2 =	vsel vm8, v2, v6;
	v4 =	vsel vm8, v4, v7  }
0x193: {  	(xrf1) =	vsort.ascd.msk.f32 $0xffff, v4, v2;
	_ =	sdelay $0x2  }
0x194: {  	v2, v3, _ =	vpop (xrf1)  }
0x195: {  	v28, v27, _ =	vpop (xrf1);
	[tilespmem:$0x8000] =	vst v2  }
0x196: {  	[tilespmem:$0x8800] =	vst v3;
	v30, v29, _ =	vpop (xrf1)  }
0x197: {  	v2, v31, _ =	vpop (xrf1);
	[tilespmem:$0x8020] =	vst v30  }
0x198: {  	v32 =	vld [tilespmem:$0x8000];
	[tilespmem:$0x8030] =	vst v2;
	v33, v9, _ =	vpop (xrf1)  }
0x199: {  	v36 =	vld [tilespmem:$0x8020];
	[tilespmem:$0x8400] =	vst v33  }
0x19a: {  	v47 =	vld [tilespmem:$0x8030];
	v3, v35, _ =	vpop (xrf1);
	[tilespmem:$0x8C00] =	vst v9  }
0x19b: {  	[tilespmem:$0x8410] =	vst v3;
	v3 =	vld [tilespmem:$0x8400]  }
0x19c: {  	v2 =	vld [tilespmem:$0x8C00]  }
0x19d: {  	v37, v38, _ =	vpop (xrf1);
	[tilespmem:$0x8C10] =	vst v35;
	v42 =	vld [tilespmem:$0x8410]  }
0x19e: {  	[tilespmem:$0x8420] =	vst v37;
	v45 =	vld [tilespmem:$0x8C10]  }
0x19f: {  	v40, v41, _ =	vpop (xrf1);
	[tilespmem:$0x8C20] =	vst v38;
	v44 =	vld [tilespmem:$0x8420]  }
0x1a0: {  	[tilespmem:$0x8430] =	vst v40;
	v46 =	vld [tilespmem:$0x8C20]  }
0x1a1: {  	[tilespmem:$0x8830] =	vst v31;
	v43 =	vld [tilespmem:$0x8430]  }
0x1a2: {  	[tilespmem:$0x8010] =	vst v28;
	v51 =	vld [tilespmem:$0x8830]  }
0x1a3: {  	v34 =	vld [tilespmem:$0x8010];
	[tilespmem:$0x8820] =	vst v29;
	v50 =	vperm.xlane v41, v1;
	v3 =	vperm.xlane v3, v1  }
0x1a4: {  	[tilespmem:$0x8810] =	vst v27;
	v49 =	vld [tilespmem:$0x8820];
	v2 =	vperm.xlane v2, v1;
	v15 =	vperm.xlane v42, v1  }
0x1a5: {  	v48 =	vld [tilespmem:$0x8810];
	v14 =	vperm.xlane v45, v1;
	v11 =	vperm.xlane v44, v1  }
0x1a6: {  	v39 =	vld [tilespmem:$0x8800];
	v9 =	vperm.xlane v46, v1;
	vm2 =	vlt.f32 v3, v47;
	v13 =	vperm.xlane v43, v1  }
0x1a7: {  	vm11 =	vlt.f32 v15, v36;
	v3 =	vsel vm2, v3, v47;
	v2 =	vsel vm2, v2, v51  }
0x1a8: {  	vm10 =	vlt.f32 v11, v34;
	v52 =	vsel vm11, v15, v36;
	vm9 =	vlt.f32 v13, v32  }
0x1a9: {  	v53 =	vsel vm11, v14, v49;
	v10 =	vsel vm10, v11, v34;
	v4 =	vsel vm9, v13, v32  }
0x1aa: {  	v7 =	vsel vm10, v9, v48;
	vm13 =	vlt.f32 v3, v10;
	vm12 =	vlt.f32 v52, v4  }
0x1ab: {  	v6 =	vsel vm9, v50, v39;
	v11 =	vsel vm13, v3, v10;
	v54 =	vsel vm12, v52, v4  }
0x1ac: {  	v13 =	vsel vm13, v2, v7;
	v55 =	vsel vm12, v53, v6;
	vm14 =	vlt.f32 v11, v54  }
0x1ad: {  	v56 =	vsel vm14, v11, v54;
	v57 =	vsel vm14, v13, v55  }
0x1ae: {  	v3 =	vsel vm13, v10, v3;
	v2 =	vsel vm13, v7, v2;
	(xrf1) =	vsort.ascd.msk.f32 $0xffff, v56, v57  }
0x1af: {  	v4 =	vsel vm12, v4, v52;
	v58 =	vsel vm14, v54, v11;
	v59 =	vsel vm14, v55, v13  }
0x1b0: {  	v5 =	vsel vm12, v6, v53;
	vm15 =	vlt.f32 v3, v4;
	(xrf1) =	vsort.ascd.msk.f32 $0xffff, v58, v59  }
0x1b1: {  	v60 =	vsel vm15, v3, v4;
	v7 =	vsel vm15, v2, v5  }
0x1b2: {  	(xrf1) =	vsort.ascd.msk.f32 $0xffff, v60, v7  }
0x1b3: {  	v3 =	vsel vm15, v4, v3;
	v2 =	vsel vm15, v5, v2  }
0x1b4: {  	(xrf1) =	vsort.ascd.msk.f32 $0xffff, v3, v2;
	_ =	sdelay $0x7  }
0x1b5: {  	[tilespmem:$0x8C30] =	vst v41;
	v2, v3, _ =	vpop (xrf1)  }
0x1b6: {  	[tilespmem:$0x8000] =	vst v2  }
0x1b7: {  	v2, v61, _ =	vpop (xrf1);
	[tilespmem:$0x8800] =	vst v3  }
0x1b8: {  	[tilespmem:$0x8010] =	vst v2  }
0x1b9: {  	v2, v3, _ =	vpop (xrf1);
	[tilespmem:$0x8810] =	vst v61;
	v62 =	vld [tilespmem:$0x8000]  }
0x1ba: {  	[tilespmem:$0x8020] =	vst v2  }
0x1bb: {  	v2, v63, _ =	vpop (xrf1);
	[tilespmem:$0x8820] =	vst v3  }
0x1bc: {  	[tilespmem:$0x8030] =	vst v2  }
0x1bd: {  	[tilespmem:$0x8830] =	vst v63  }
0x1be: {  	[tilespmem:s16+$0x9800] =	vst v62  }
0x1bf: {  	v2 =	vld [tilespmem:$0x8800];
	_ =	sdelay $0x4  }
0x1c0: {  	[tilespmem:s16+$0x9000] =	vst v2  }
0x1c1: {  	v2 =	vld [tilespmem:$0x8010];
	_ =	sdelay $0x4  }
0x1c2: {  	[tilespmem:s16+$0x9810] =	vst v2  }
0x1c3: {  	v2 =	vld [tilespmem:$0x8810];
	_ =	sdelay $0x4  }
0x1c4: {  	[tilespmem:s16+$0x9010] =	vst v2  }
0x1c5: {  	v2 =	vld [tilespmem:$0x8020];
	_ =	sdelay $0x4  }
0x1c6: {  	s15 =	sadd.s32 $0x1, s15;
	[tilespmem:s16+$0x9820] =	vst v2  }
0x1c7: {  	p0 =	sne.s32 s15, $0x10;
	v2 =	vld [tilespmem:$0x8820]  }
.Ltmp7:
0x1c8: {  	_ = 	snop;
	(pc) =	sbr.rel @p0 .LBB2_3-.Ltmp7, $2  }
0x1c9: {  	_ =	sdelay $0x2  }
0x1ca: {  	[tilespmem:s16+$0x9020] =	vst v2  }
0x1cb: {  	s13 =	sshll.u32 s13, $0x4  }
0x1cc: {  	s14 =	sadd.s32 s4, s13  }
0x1cd: {  	[hbm4b:s14+s2] =	stream.linear.scatter [tilespmem:s9], [sflag:$0x1], $0x800, $0x38;
	[tilespmem:$0xA000] =	vst v63  }
0x1ce: {  	s12 =	sadd.s32 $0x1, s12;
	_ =	swait.ge [sflag:s8], $0x800  }
0x1cf: {  	p0 =	sne.s32 s12, $0x20;
	[sflag:s8] =	ssyncset.done $0x0  }
.Ltmp8:
0x1d0: {  	s13 =	sadd.s32 s5, s13;
	[sflag:s8] =	ssyncadd.s32 $0xFFFFF800;
	(pc) =	sbr.rel @p0 .LBB2_2-.Ltmp8, $4  }
0x1d1: {  	[hbm4b:s13+s2] =	stream.linear.scatter [tilespmem:s10], [sflag:$0x1], $0x800, $0x38;
	[tilespmem:$0xA000] =	vst v63  }
0x1d2: {  	_ =	swait.ge [sflag:s8], $0x800  }
0x1d3: {  	[sflag:s8] =	ssyncset.done $0x0  }
0x1d4: {  	[sflag:s8] =	ssyncadd.s32 $0xFFFFF800  }
0x1d5: {  	s11 =	sadd.s32 $0x1, s11  }
0x1d6: {  	p0 =	sne.s32 s11, s7  }
.Ltmp9:
0x1d7: {  	_ = 	snop;
	(pc) =	sbr.rel @p0 .LBB2_1-.Ltmp9, $1  }
0x1d8: {  	_ =	sdelay $0x3  }
0x1d9: {  	_ =	sfence.sel $0x180000  }
0x1da: {  	[bflag:$0x0] =	sbarrier.arrive $0xFFFF  }
0x1db: {  	p0 =	sne.s32 s3, $0x0;
	_ =	strace $0x90000047  }
0x1dc: {  	s0 =	sadd.s32 @!p0 $0x100000, s0;
	[bflag:$0x2] =	sbarrier.arrive $0xFFFF  }
0x1dd: {  	[sflag:s0] =	ssyncadd.tile.s32 @!p0 $0x1;
	_ =	shalt  }
.Lfunc_end2:
_tile_overlayer_lowered:
.L_overlay_start_2:
0x1de: {  	(tag) =	ssettag $0x2  }
0x1df: {  	s0 =	rddreg [dreg:$0x0];
	s2 =	stileid.u32  }
0x1e0: {  	s1 =	rddreg [dreg:$0x1];
	p0 =	sne.s32 s2, $0x0  }
0x1e1: {  	s3 =	rddreg [dreg:$0x2];
	[bflag:$0x3] =	sbarrier.arrive $0xFFFF;
	s2 =	simm.s32 @!p0 $0x1C01  }
0x1e2: {  	[timem:s3], [sflag:s2] =	dma.local @!p0 [hbm:s0], s1  }
0x1e3: {  	s0 =	simm.s32 @!p0 $0x1  }
0x1e4: {  	_ =	swait.ge @!p0 [sflag:s0], s1  }
0x1e5: {  	s1 =	ssub.s32 @!p0 $0x0, s1;
	[sflag:s0] =	ssyncset.done @!p0 $0x0  }
0x1e6: {  	[sflag:s0] =	ssyncadd.s32 @!p0 s1  }
0x1e7: {  	[bflag:$0x3] =	sbarrier.arrive $0xFFFF  }
0x1e8: {  	_ =	shalt  }

</sc_bundles>
